<compile_context>
chip_gen: v7x
topology: tpu7x:2x2x1
jax: 0.10.2.dev20260603
libtpu: 0.0.44.dev20260713+nightly
codegen_flags: <defaults>
</compile_context>

<pallas_src>
import functools

import jax
import jax.numpy as jnp
import numpy as np
from jax import lax
from jax.experimental import pallas as pl
from jax.experimental.pallas import tpu as pltpu
from jax.experimental.pallas import tpu_sc as plsc

FRAME_RANGE = 5
NUM_POS_FEATS = 32
DIM_METADATA = 1
TEMPERATURE = 10000.0
B = 16384
EMBED = FRAME_RANGE * 4 * NUM_POS_FEATS
NMETA = FRAME_RANGE * DIM_METADATA
OUT_W = EMBED + NMETA
ROWS_PER_BLOCK = 512

_NC, _NS, _L = 2, 16, 16
_NW = _NC * _NS
_M = 1000000
_RNG = 31264
_MPAD = _RNG * _NW
_NQ = B // _NW
_QCH = 128

_mesh = plsc.VectorSubcoreMesh(
    core_axis_name="c", subcore_axis_name="s", num_cores=_NC, num_subcores=_NS)
_scp = pltpu.CompilerParams(
    needs_layout_passes=False, use_tc_tiling_on_sc=False)


def _wid():
    return lax.axis_index("s") * _NC + lax.axis_index("c")


def _posmap_body(w_hbm, pmap_hbm, wv, buf, sem):
    wid = _wid()
    lo = wid * _RNG
    pltpu.async_copy(w_hbm, wv, sem).wait()
    lane = lax.iota(jnp.int32, _L)
    zeros = jnp.zeros((_L,), jnp.int32)
    onehot = jnp.int32(1) << lane

    def memset_it(r, c):
        buf[pl.ds(pl.multiple_of(r * _L, _L), _L)] = zeros
        return c

    lax.fori_loop(0, _RNG // _L, memset_it, 0)

    def scat_it(jc, c):
        wvv = wv[pl.ds(pl.multiple_of(jc * _L, _L), _L)]
        rel = wvv - lo
        valid = (rel >= 0) & (rel < _RNG)
        rel = jnp.where(valid, rel, 0)
        plsc.store_scatter(buf, [rel], (zeros + jc + 1) * 65536, mask=valid)
        plsc.addupdate_scatter(buf, [rel], onehot, mask=valid)
        return c

    lax.fori_loop(0, B // _L, scat_it, 0)
    pltpu.sync_copy(buf, pmap_hbm.at[pl.ds(lo, _RNG)])


@functools.partial(
    pl.kernel,
    out_type=jax.ShapeDtypeStruct((_MPAD,), jnp.int32),
    mesh=_mesh,
    compiler_params=_scp,
    scratch_types=[
        pltpu.VMEM((B,), jnp.int32),
        pltpu.VMEM((_RNG,), jnp.int32),
        pltpu.SemaphoreType.DMA,
    ],
)
def _posmap(w_hbm, pmap_hbm, wv, buf, sem):
    _posmap_body(w_hbm, pmap_hbm, wv, buf, sem)


def _gatherq_body(pmap_hbm, q_hbm, trk_hbm, meta_hbm, det_hbm,
                  posq_hbm, qout_hbm, tA_hbm, tB_hbm, tC_hbm, mA_hbm, mB_hbm,
                  detg_hbm,
                  qv, cmv, posv, pcv, r0v, r1v, r2v, m0v, m1v,
                  tAv, tBv, tCv, mAv, mBv, detv,
                  sem0, sem1, sem2, sem3):
    wid = _wid()
    base = wid * _NQ
    nch = _NQ // _QCH
    pltpu.async_copy(q_hbm.at[pl.ds(base, _NQ)], qv, sem0).wait()
    pos_cps = [
        pltpu.async_copy(
            pmap_hbm.at[qv.at[pl.ds(c * _QCH, _QCH)]],
            cmv.at[pl.ds(c * _QCH, _QCH)], sem0)
        for c in range(nch)
    ]

    def idx_it(c, carry):
        sl = pl.ds(pl.multiple_of(c * _L, _L), _L)
        q5 = qv[sl] * 5
        r0 = q5 >> 1
        r0v[sl] = r0
        r1v[sl] = r0 + 1
        r2v[sl] = r0 + 2
        m0 = q5 >> 3
        m0v[sl] = m0
        m1v[sl] = jnp.minimum(m0 + 1, _M * NMETA // 8 - 1)
        return carry

    lax.fori_loop(0, _NQ // _L, idx_it, 0)
    trk_cps = [
        pltpu.async_copy(
            trk_hbm.at[iv.at[pl.ds(c * _QCH, _QCH)]],
            dst.at[pl.ds(c * _QCH, _QCH)], sem1)
        for c in range(nch)
        for iv, dst in ((r0v, tAv), (r1v, tBv), (r2v, tCv))
    ]
    meta_cps = [
        pltpu.async_copy(
            meta_hbm.at[iv.at[pl.ds(c * _QCH, _QCH)]],
            dst.at[pl.ds(c * _QCH, _QCH)], sem2)
        for c in range(nch)
        for iv, dst in ((m0v, mAv), (m1v, mBv))
    ]
    for cp in pos_cps:
        cp.wait()

    def decode_it(c, carry):
        sl = pl.ds(pl.multiple_of(c * _L, _L), _L)
        pk = cmv[sl]
        jc = (pk >> 16) - 1
        m = pk & 0xFFFF
        mf = m.astype(jnp.float32)
        hb = (lax.bitcast_convert_type(mf, jnp.int32) >> 23) - 127
        pos = jnp.where(jc >= 0, jc * _L + hb, -1)
        posv[sl] = pos
        pcv[sl] = jnp.maximum(pos, 0)
        return carry

    lax.fori_loop(0, _NQ // _L, decode_it, 0)
    det_cps = [
        pltpu.async_copy(
            det_hbm.at[pcv.at[pl.ds(c * _QCH, _QCH)]],
            detv.at[pl.ds(c * _QCH, _QCH)], sem3)
        for c in range(nch)
    ]
    pltpu.sync_copy(posv, posq_hbm.at[pl.ds(base, _NQ)])
    pltpu.sync_copy(qv, qout_hbm.at[pl.ds(base, _NQ)])
    for cp in trk_cps:
        cp.wait()
    pltpu.sync_copy(tAv, tA_hbm.at[pl.ds(base, _NQ)])
    pltpu.sync_copy(tBv, tB_hbm.at[pl.ds(base, _NQ)])
    pltpu.sync_copy(tCv, tC_hbm.at[pl.ds(base, _NQ)])
    for cp in meta_cps:
        cp.wait()
    pltpu.sync_copy(mAv, mA_hbm.at[pl.ds(base, _NQ)])
    pltpu.sync_copy(mBv, mB_hbm.at[pl.ds(base, _NQ)])
    for cp in det_cps:
        cp.wait()
    pltpu.sync_copy(detv, detg_hbm.at[pl.ds(base, _NQ)])


_B8 = jax.ShapeDtypeStruct((B, 8), jnp.float32)


@functools.partial(
    pl.kernel,
    out_type=(
        jax.ShapeDtypeStruct((B,), jnp.int32),
        jax.ShapeDtypeStruct((B,), jnp.int32),
        _B8, _B8, _B8,
        _B8, _B8,
        _B8,
    ),
    mesh=_mesh,
    compiler_params=_scp,
    scratch_types=[
        pltpu.VMEM((_NQ,), jnp.int32),
        pltpu.VMEM((_NQ,), jnp.int32),
        pltpu.VMEM((_NQ,), jnp.int32),
        pltpu.VMEM((_NQ,), jnp.int32),
        pltpu.VMEM((_NQ,), jnp.int32),
        pltpu.VMEM((_NQ,), jnp.int32),
        pltpu.VMEM((_NQ,), jnp.int32),
        pltpu.VMEM((_NQ,), jnp.int32),
        pltpu.VMEM((_NQ,), jnp.int32),
        pltpu.VMEM((_NQ, 8), jnp.float32),
        pltpu.VMEM((_NQ, 8), jnp.float32),
        pltpu.VMEM((_NQ, 8), jnp.float32),
        pltpu.VMEM((_NQ, 8), jnp.float32),
        pltpu.VMEM((_NQ, 8), jnp.float32),
        pltpu.VMEM((_NQ, 8), jnp.float32),
        pltpu.SemaphoreType.DMA,
        pltpu.SemaphoreType.DMA,
        pltpu.SemaphoreType.DMA,
        pltpu.SemaphoreType.DMA,
    ],
)
def _gatherq(pmap_hbm, q_hbm, trk_hbm, meta_hbm, det_hbm,
             posq_hbm, qout_hbm, tA_hbm, tB_hbm, tC_hbm, mA_hbm, mB_hbm,
             detg_hbm,
             qv, cmv, posv, pcv, r0v, r1v, r2v, m0v, m1v,
             tAv, tBv, tCv, mAv, mBv, detv,
             sem0, sem1, sem2, sem3):
    _gatherq_body(pmap_hbm, q_hbm, trk_hbm, meta_hbm, det_hbm,
                  posq_hbm, qout_hbm, tA_hbm, tB_hbm, tC_hbm, mA_hbm, mB_hbm,
                  detg_hbm,
                  qv, cmv, posv, pcv, r0v, r1v, r2v, m0v, m1v,
                  tAv, tBv, tCv, mAv, mBv, detv,
                  sem0, sem1, sem2, sem3)


def _freq_matrices():
    i = np.arange(NUM_POS_FEATS // 2, dtype=np.float64)
    w = 2.0 * np.pi * TEMPERATURE ** (-i / (NUM_POS_FEATS // 2))
    w2 = np.concatenate([w, w])
    ngroups = FRAME_RANGE * 4
    S20 = np.zeros((ngroups, EMBED), dtype=np.float32)
    for g in range(ngroups):
        S20[g, g * 32:(g + 1) * 32] = w2
    S0 = np.zeros((24, EMBED), dtype=np.float32)
    S0[:20] = S20
    S4OFF = np.zeros((24, EMBED), dtype=np.float32)
    S4OFF[4:24] = S20
    SDET = S20.reshape(FRAME_RANGE, 4, EMBED).sum(axis=0).astype(np.float32)
    shift = np.tile(
        np.concatenate([np.zeros(16), np.full(16, np.pi / 2.0)]), ngroups
    ).astype(np.float32)
    METASEL = np.zeros((8 * NMETA, 16), dtype=np.float32)
    for t in range(8):
        for k in range(NMETA):
            METASEL[5 * t + k, t + k] = 1.0
    E1 = np.zeros((1, 8), dtype=np.float32)
    E1[0, 4] = 1.0
    return S0, S4OFF, SDET, shift[:, None], METASEL, E1


_S0, _S4OFF, _SDET, _SHIFT_T, _METASEL, _E1 = _freq_matrices()


def _encode_body(tA_ref, tB_ref, tC_ref, mA_ref, mB_ref, detg_ref,
                 posq_ref, qout_ref,
                 s0_ref, s4_ref, sdet_ref, shift_ref, msel_ref, e1_ref,
                 out_ref):
    sel = posq_ref[...] >= 0
    q = qout_ref[...]
    qodd = (q & 1) == 1
    dn = (((0,), (1,)), ((), ()))
    dn2 = (((1,), (1,)), ((), ()))
    x24 = jnp.concatenate([tA_ref[...], tB_ref[...], tC_ref[...]], axis=1)
    ph0 = lax.dot_general(s0_ref[...], x24, dn,
                          preferred_element_type=jnp.float32)
    ph4 = lax.dot_general(s4_ref[...], x24, dn,
                          preferred_element_type=jnp.float32)
    trk_ph = jnp.where(qodd, ph4, ph0)
    det_ph = lax.dot_general(sdet_ref[...], detg_ref[:, :4], dn,
                             preferred_element_type=jnp.float32)
    phases = jnp.where(sel, det_ph, trk_ph)
    out_ref[:EMBED, :] = jnp.cos(phases - shift_ref[...])
    x16 = jnp.concatenate([mA_ref[...], mB_ref[...]], axis=1)
    msel = lax.dot_general(msel_ref[...], x16, dn2,
                           preferred_element_type=jnp.float32)
    mo = (q * NMETA) & 7
    meta_nat = jnp.zeros((NMETA, mo.shape[1]), jnp.float32)
    for t in range(8):
        meta_nat = jnp.where(mo == t, msel[5 * t:5 * t + NMETA, :], meta_nat)
    conf = lax.dot_general(e1_ref[...], detg_ref[...], dn2,
                           preferred_element_type=jnp.float32)
    out_ref[EMBED:, :] = jnp.where(
        sel, jnp.broadcast_to(conf, meta_nat.shape), meta_nat)


def _sine_encode(tA, tB, tC, mA, mB, detg, posq1r, qout1r):
    n = tA.shape[0]
    grid = n // ROWS_PER_BLOCK
    r8 = pl.BlockSpec((ROWS_PER_BLOCK, 8), lambda i: (i, 0))
    c1 = pl.BlockSpec((1, ROWS_PER_BLOCK), lambda i: (0, i))
    out_t = pl.pallas_call(
        _encode_body,
        grid=(grid,),
        in_specs=[
            r8, r8, r8, r8, r8, r8, c1, c1,
            pl.BlockSpec((24, EMBED), lambda i: (0, 0)),
            pl.BlockSpec((24, EMBED), lambda i: (0, 0)),
            pl.BlockSpec((4, EMBED), lambda i: (0, 0)),
            pl.BlockSpec((EMBED, 1), lambda i: (0, 0)),
            pl.BlockSpec((8 * NMETA, 16), lambda i: (0, 0)),
            pl.BlockSpec((1, 8), lambda i: (0, 0)),
        ],
        out_specs=pl.BlockSpec((OUT_W, ROWS_PER_BLOCK), lambda i: (0, i)),
        out_shape=jax.ShapeDtypeStruct((OUT_W, n), jnp.float32),
    )(tA, tB, tC, mA, mB, detg, posq1r, qout1r,
      jnp.asarray(_S0), jnp.asarray(_S4OFF), jnp.asarray(_SDET),
      jnp.asarray(_SHIFT_T), jnp.asarray(_METASEL), jnp.asarray(_E1))
    return out_t.T


def kernel(tracklets, tracklet_metadata, detections, write_indices, query_indices):
    trk8 = tracklets.reshape(_M * 4 * FRAME_RANGE // 8, 8)
    meta8 = tracklet_metadata.reshape(_M * NMETA // 8, 8)
    det8 = jnp.pad(detections, ((0, 0), (0, 3)))
    pmap = _posmap(write_indices)
    posq, qout, tA, tB, tC, mA, mB, detg = _gatherq(
        pmap, query_indices, trk8, meta8, det8)
    return _sine_encode(tA, tB, tC, mA, mB, detg,
                        posq.reshape(1, B), qout.reshape(1, B))

# --- scband reference (transcript-rebuilt; emitter-appended) ---
"""Pipeline reference for scband-kinet-tracking-base2-3908420239663 (READ-ONLY COPY).

The authoritative reference and input builder live on the scoring server;
editing this copy changes nothing except your own understanding.
"""

import jax, jax.numpy as jnp
import numpy as np

FRAME_RANGE = 5
NUM_POS_FEATS = 32
DIM_METADATA = 1
TEMPERATURE = 10000.0
M = 1000000
B = 16384


def sine_encoding_tracklet(x):
    # x: [N, frame_range, 4] in [0,1]
    dim_t = jnp.arange(NUM_POS_FEATS, dtype=jnp.float32)
    dim_t = TEMPERATURE ** (2 * jnp.floor(dim_t / 2) / NUM_POS_FEATS)
    freq = x[:, :, :, None] * jnp.pi * 2 / dim_t  # [N, F, 4, num_pos_feats]
    embed = jnp.concatenate([jnp.cos(freq[:, :, :, 0::2]), jnp.sin(freq[:, :, :, 1::2])], axis=3)
    return embed.reshape(embed.shape[0], -1)  # [N, 4*num_pos_feats*F]


def setup_inputs(seed: int = 0) -> dict:
    key = jax.random.key(seed)
    k1, k2, k3, k4, k5 = jax.random.split(key, 5)
    tracklets = jax.random.uniform(k1, (M, FRAME_RANGE, 4), dtype=jnp.float32)
    tracklet_metadata = jax.random.uniform(k2, (M, FRAME_RANGE, DIM_METADATA), dtype=jnp.float32)
    detections = jax.random.uniform(k3, (B, 5), dtype=jnp.float32)  # [x,y,w,h,conf]
    write_indices = jax.random.randint(k4, (B,), 0, M, dtype=jnp.int64) if jax.config.jax_enable_x64 else jax.random.randint(k4, (B,), 0, M).astype(jnp.int32)
    query_indices = jax.random.randint(k5, (B,), 0, M, dtype=jnp.int64) if jax.config.jax_enable_x64 else jax.random.randint(k5, (B,), 0, M).astype(jnp.int32)
    return {
        "tracklets": tracklets,
        "tracklet_metadata": tracklet_metadata,
        "detections": detections,
        "write_indices": write_indices,
        "query_indices": query_indices,
    }


def reference(tracklets, tracklet_metadata, detections, write_indices, query_indices):
    n = detections.shape[0]
    # generate_pseudo_tracklets: tile detection boxes across frame_range
    pseudo_tracklets = jnp.tile(detections[:, None, :4], (1, FRAME_RANGE, 1))  # [B, F, 4]
    # add_positive_detections_to_tracklets: scatter-overwrite into tracklet memory
    mem = tracklets.at[write_indices].set(pseudo_tracklets)
    meta_vals = jnp.broadcast_to(detections[:, None, 4:4 + DIM_METADATA], (n, FRAME_RANGE, DIM_METADATA))
    meta = tracklet_metadata.at[write_indices].set(meta_vals)
    # update_query_embeddings: gather tracklets + sine-encode
    gathered = mem[query_indices]  # [B, F, 4]
    embed = sine_encoding_tracklet(gathered)  # [B, 4*num_pos_feats*F]
    meta_q = meta[query_indices].reshape(n, -1)  # [B, F*dim_metadata]
    return jnp.concatenate([embed, meta_q], axis=1)

if __name__ == "__main__":
    import jax
    _d = setup_inputs()
    print(jax.jit(kernel)(*tuple(_d.values())))

</pallas_src>

<mosaic_0001>
#map = affine_map<(d0, d1) -> (0)>
module attributes {stable_mosaic.version = 14 : i64} {
  func.func @_posmap(%arg0: i32, %arg1: i32, %arg2: memref<16384xi32, #tpu.memory_space<hbm>>, %arg3: memref<1000448xi32, #tpu.memory_space<hbm>>, %arg4: memref<16384xi32, #tpu.memory_space<vmem>>, %arg5: memref<31264xi32, #tpu.memory_space<vmem>>, %arg6: memref<!tpu.dma_semaphore, #tpu.memory_space<semaphore_mem>>) attributes {dimension_semantics = [#tpu.dimension_semantics<core_parallel>, #tpu.dimension_semantics<subcore_parallel>], iteration_bounds = array<i64: 2, 16>, scalar_prefetch = 0 : i64, scratch_operands = 3 : i64, tpu.core_type = #tpu.core_type<sc_vector_subcore>, window_params = [{transform_indices = #map}, {transform_indices = #map}]} {
    %mul3A = arith.constant 2 : i32
    %mul3A_0 = arith.muli %arg1, %mul3A : i32
    %add3A = arith.addi %mul3A_0, %arg0 : i32
    %mul3A_1 = arith.constant 31264 : i32
    %mul3A_2 = arith.muli %add3A, %mul3A_1 : i32
    tpu.enqueue_dma source(%arg2 : memref<16384xi32, #tpu.memory_space<hbm>>) target(%arg4 : memref<16384xi32, #tpu.memory_space<vmem>>) target_semaphore(%arg6 : memref<!tpu.dma_semaphore, #tpu.memory_space<semaphore_mem>>)
    tpu.wait_dma2 semaphore(%arg6 : memref<!tpu.dma_semaphore, #tpu.memory_space<semaphore_mem>>) src(%arg2 : memref<16384xi32, #tpu.memory_space<hbm>>) dst(%arg4 : memref<16384xi32, #tpu.memory_space<vmem>>)
    %iota3A = tpu.iota {dimensions = array<i32: 0>} : vector<16xi32>
    %broadcast_in_dim3A = arith.constant 0 : i32
    %broadcast_in_dim3A_3 = vector.broadcast %broadcast_in_dim3A : i32 to vector<16xi32>
    %shift_left3A = arith.constant 1 : i32
    %shift_left3A_4 = vector.broadcast %shift_left3A : i32 to vector<16xi32>
    %shift_left3A_5 = arith.shli %shift_left3A_4, %iota3A : vector<16xi32>
    %scan3A = arith.constant 0 : i32
    %scan3A_6 = arith.constant 0 : i32
    %scan3A_7 = arith.constant 1954 : i32
    %scan3A_8 = arith.addi %scan3A_6, %scan3A_7 : i32
    %scan3A_9 = arith.constant 1 : i32
    scf.for %scan3A_17 = %scan3A_6 to %scan3A_8 step %scan3A_9  : i32 {
      %mul3A_18 = arith.constant 16 : i32
      %mul3A_19 = arith.muli %scan3A_17, %mul3A_18 : i32
      %multiple_of3A = tpu.assume_multiple %mul3A_19, 16 : i32
      %swap3A = arith.index_cast %multiple_of3A : i32 to index
      %swap3A_20 = tpu.vector_load %arg5[%swap3A] {strides = array<i32>} : memref<31264xi32, #tpu.memory_space<vmem>>, vector<16xi32>,
      tpu.vector_store %arg5[%swap3A], %broadcast_in_dim3A_3 {strides = array<i32>} : memref<31264xi32, #tpu.memory_space<vmem>>, vector<16xi32>,
    }
    %scan3A_10 = arith.constant 1954 : i32
    %scan3A_11 = arith.constant 0 : i32
    %scan3A_12 = arith.constant 0 : i32
    %scan3A_13 = arith.constant 1024 : i32
    %scan3A_14 = arith.addi %scan3A_12, %scan3A_13 : i32
    %scan3A_15 = arith.constant 1 : i32
    scf.for %scan3A_17 = %scan3A_12 to %scan3A_14 step %scan3A_15  : i32 {
      %mul3A_18 = arith.constant 16 : i32
      %mul3A_19 = arith.muli %scan3A_17, %mul3A_18 : i32
      %multiple_of3A = tpu.assume_multiple %mul3A_19, 16 : i32
      %get3A = arith.index_cast %multiple_of3A : i32 to index
      %get3A_20 = tpu.vector_load %arg4[%get3A] {strides = array<i32>} : memref<16384xi32, #tpu.memory_space<vmem>>, vector<16xi32>,
      %sub3A = vector.broadcast %mul3A_2 : i32 to vector<16xi32>
      %sub3A_21 = arith.subi %get3A_20, %sub3A : vector<16xi32>
      %ge3A = arith.constant 0 : i32
      %ge3A_22 = vector.broadcast %ge3A : i32 to vector<16xi32>
      %ge3A_23 = arith.cmpi sge, %sub3A_21, %ge3A_22 : vector<16xi32>
      %lt3A = arith.constant 31264 : i32
      %lt3A_24 = vector.broadcast %lt3A : i32 to vector<16xi32>
      %lt3A_25 = arith.cmpi slt, %sub3A_21, %lt3A_24 : vector<16xi32>
      %and3A = arith.andi %ge3A_23, %lt3A_25 : vector<16xi1>
      %jit3A = arith.constant 0 : i32
      %broadcast_in_dim3A_26 = vector.broadcast %jit3A : i32 to vector<16xi32>
      %select_n3A = arith.select %and3A, %sub3A_21, %broadcast_in_dim3A_26 : vector<16xi1>, vector<16xi32>
      %add3A_27 = vector.broadcast %scan3A_17 : i32 to vector<16xi32>
      %add3A_28 = arith.addi %broadcast_in_dim3A_3, %add3A_27 : vector<16xi32>
      %add3A_29 = arith.constant 1 : i32
      %add3A_30 = vector.broadcast %add3A_29 : i32 to vector<16xi32>
      %add3A_31 = arith.addi %add3A_28, %add3A_30 : vector<16xi32>
      %mul3A_32 = arith.constant 65536 : i32
      %mul3A_33 = vector.broadcast %mul3A_32 : i32 to vector<16xi32>
      %mul3A_34 = arith.muli %add3A_31, %mul3A_33 : vector<16xi32>
      tpu.vector_store_idx %arg5[%select_n3A], %mul3A_34 masked %and3A : memref<31264xi32, #tpu.memory_space<vmem>>[vector<16xi32>], vector<16xi32>, vector<16xi1>
      tpu.vector_store_idx %arg5[%select_n3A], %shift_left3A_5 masked %and3A {add = true} : memref<31264xi32, #tpu.memory_space<vmem>>[vector<16xi32>], vector<16xi32>, vector<16xi1>
    }
    %scan3A_16 = arith.constant 1024 : i32
    "tpu.region"() ({
      %run_scoped3A = tpu.sem_alloc : memref<!tpu.dma_semaphore, #tpu.memory_space<semaphore_mem>>
      %dma_start3A = tpu.memref_slice %arg3[%mul3A_2] : memref<1000448xi32, #tpu.memory_space<hbm>> -> memref<31264xi32, #tpu.memory_space<hbm>>
      %dma_start3A_17 = tpu.memref_slice %arg3[%mul3A_2] : memref<1000448xi32, #tpu.memory_space<hbm>> -> memref<31264xi32, #tpu.memory_space<hbm>>
      tpu.enqueue_dma source(%arg5 : memref<31264xi32, #tpu.memory_space<vmem>>) target(%dma_start3A_17 : memref<31264xi32, #tpu.memory_space<hbm>>) target_semaphore(%run_scoped3A : memref<!tpu.dma_semaphore, #tpu.memory_space<semaphore_mem>>)
      %dma_wait3A = tpu.memref_slice %arg3[%mul3A_2] : memref<1000448xi32, #tpu.memory_space<hbm>> -> memref<31264xi32, #tpu.memory_space<hbm>>
      %dma_wait3A_18 = tpu.memref_slice %arg3[%mul3A_2] : memref<1000448xi32, #tpu.memory_space<hbm>> -> memref<31264xi32, #tpu.memory_space<hbm>>
      tpu.wait_dma2 semaphore(%run_scoped3A : memref<!tpu.dma_semaphore, #tpu.memory_space<semaphore_mem>>) src(%arg5 : memref<31264xi32, #tpu.memory_space<vmem>>) dst(%dma_wait3A_18 : memref<31264xi32, #tpu.memory_space<hbm>>)
      tpu.yield
    }) : () -> ()
    return
  }
}

#map = affine_map<(d0, d1) -> (0)>
#map1 = affine_map<(d0, d1) -> (0, 0)>
module attributes {stable_mosaic.version = 14 : i64} {
  func.func @_gatherq(%arg0: i32, %arg1: i32, %arg2: memref<1000448xi32, #tpu.memory_space<hbm>>, %arg3: memref<16384xi32, #tpu.memory_space<hbm>>, %arg4: memref<2500000x8xf32, #tpu.memory_space<hbm>>, %arg5: memref<625000x8xf32, #tpu.memory_space<hbm>>, %arg6: memref<16384x8xf32, #tpu.memory_space<hbm>>, %arg7: memref<16384xi32, #tpu.memory_space<hbm>>, %arg8: memref<16384xi32, #tpu.memory_space<hbm>>, %arg9: memref<16384x8xf32, #tpu.memory_space<hbm>>, %arg10: memref<16384x8xf32, #tpu.memory_space<hbm>>, %arg11: memref<16384x8xf32, #tpu.memory_space<hbm>>, %arg12: memref<16384x8xf32, #tpu.memory_space<hbm>>, %arg13: memref<16384x8xf32, #tpu.memory_space<hbm>>, %arg14: memref<16384x8xf32, #tpu.memory_space<hbm>>, %arg15: memref<512xi32, #tpu.memory_space<vmem>>, %arg16: memref<512xi32, #tpu.memory_space<vmem>>, %arg17: memref<512xi32, #tpu.memory_space<vmem>>, %arg18: memref<512xi32, #tpu.memory_space<vmem>>, %arg19: memref<512xi32, #tpu.memory_space<vmem>>, %arg20: memref<512xi32, #tpu.memory_space<vmem>>, %arg21: memref<512xi32, #tpu.memory_space<vmem>>, %arg22: memref<512xi32, #tpu.memory_space<vmem>>, %arg23: memref<512xi32, #tpu.memory_space<vmem>>, %arg24: memref<512x8xf32, #tpu.memory_space<vmem>>, %arg25: memref<512x8xf32, #tpu.memory_space<vmem>>, %arg26: memref<512x8xf32, #tpu.memory_space<vmem>>, %arg27: memref<512x8xf32, #tpu.memory_space<vmem>>, %arg28: memref<512x8xf32, #tpu.memory_space<vmem>>, %arg29: memref<512x8xf32, #tpu.memory_space<vmem>>, %arg30: memref<!tpu.dma_semaphore, #tpu.memory_space<semaphore_mem>>, %arg31: memref<!tpu.dma_semaphore, #tpu.memory_space<semaphore_mem>>, %arg32: memref<!tpu.dma_semaphore, #tpu.memory_space<semaphore_mem>>, %arg33: memref<!tpu.dma_semaphore, #tpu.memory_space<semaphore_mem>>) attributes {dimension_semantics = [#tpu.dimension_semantics<core_parallel>, #tpu.dimension_semantics<subcore_parallel>], iteration_bounds = array<i64: 2, 16>, scalar_prefetch = 0 : i64, scratch_operands = 19 : i64, tpu.core_type = #tpu.core_type<sc_vector_subcore>, window_params = [{transform_indices = #map}, {transform_indices = #map}, {transform_indices = #map1}, {transform_indices = #map1}, {transform_indices = #map1}, {transform_indices = #map}, {transform_indices = #map}, {transform_indices = #map1}, {transform_indices = #map1}, {transform_indices = #map1}, {transform_indices = #map1}, {transform_indices = #map1}, {transform_indices = #map1}]} {
    %mul3A = arith.constant 2 : i32
    %mul3A_0 = arith.muli %arg1, %mul3A : i32
    %add3A = arith.addi %mul3A_0, %arg0 : i32
    %mul3A_1 = arith.constant 512 : i32
    %mul3A_2 = arith.muli %add3A, %mul3A_1 : i32
    %dma_start3A = tpu.memref_slice %arg3[%mul3A_2] : memref<16384xi32, #tpu.memory_space<hbm>> -> memref<512xi32, #tpu.memory_space<hbm>>
    %dma_start3A_3 = tpu.memref_slice %arg3[%mul3A_2] : memref<16384xi32, #tpu.memory_space<hbm>> -> memref<512xi32, #tpu.memory_space<hbm>>
    tpu.enqueue_dma source(%dma_start3A_3 : memref<512xi32, #tpu.memory_space<hbm>>) target(%arg15 : memref<512xi32, #tpu.memory_space<vmem>>) target_semaphore(%arg30 : memref<!tpu.dma_semaphore, #tpu.memory_space<semaphore_mem>>)
    %dma_wait3A = tpu.memref_slice %arg3[%mul3A_2] : memref<16384xi32, #tpu.memory_space<hbm>> -> memref<512xi32, #tpu.memory_space<hbm>>
    %dma_wait3A_4 = tpu.memref_slice %arg3[%mul3A_2] : memref<16384xi32, #tpu.memory_space<hbm>> -> memref<512xi32, #tpu.memory_space<hbm>>
    tpu.wait_dma2 semaphore(%arg30 : memref<!tpu.dma_semaphore, #tpu.memory_space<semaphore_mem>>) src(%dma_wait3A_4 : memref<512xi32, #tpu.memory_space<hbm>>) dst(%arg15 : memref<512xi32, #tpu.memory_space<vmem>>)
    %dma_start3A_5 = arith.constant 0 : i32
    %dma_start3A_6 = tpu.memref_slice %arg16[%dma_start3A_5] : memref<512xi32, #tpu.memory_space<vmem>> -> memref<128xi32, #tpu.memory_space<vmem>>
    %dma_start3A_7 = arith.constant 0 : i32
    %dma_start3A_8 = tpu.memref_slice %arg15[%dma_start3A_7] : memref<512xi32, #tpu.memory_space<vmem>> -> memref<128xi32, #tpu.memory_space<vmem>>
    %dma_start3A_9 = arith.constant 0 : i32
    %dma_start3A_10 = tpu.memref_slice %arg2[%dma_start3A_9] : memref<1000448xi32, #tpu.memory_space<hbm>> -> memref<1000448xi32, #tpu.memory_space<hbm>>
    tpu.enqueue_indirect_dma source(%dma_start3A_10 : memref<1000448xi32, #tpu.memory_space<hbm>>) target(%dma_start3A_6 : memref<128xi32, #tpu.memory_space<vmem>>) offsets(%dma_start3A_8 : memref<128xi32, #tpu.memory_space<vmem>>) semaphore(%arg30 : memref<!tpu.dma_semaphore, #tpu.memory_space<semaphore_mem>>)
    %dma_start3A_11 = arith.constant 128 : i32
    %dma_start3A_12 = tpu.memref_slice %arg16[%dma_start3A_11] : memref<512xi32, #tpu.memory_space<vmem>> -> memref<128xi32, #tpu.memory_space<vmem>>
    %dma_start3A_13 = arith.constant 128 : i32
    %dma_start3A_14 = tpu.memref_slice %arg15[%dma_start3A_13] : memref<512xi32, #tpu.memory_space<vmem>> -> memref<128xi32, #tpu.memory_space<vmem>>
    %dma_start3A_15 = arith.constant 0 : i32
    %dma_start3A_16 = tpu.memref_slice %arg2[%dma_start3A_15] : memref<1000448xi32, #tpu.memory_space<hbm>> -> memref<1000448xi32, #tpu.memory_space<hbm>>
    tpu.enqueue_indirect_dma source(%dma_start3A_16 : memref<1000448xi32, #tpu.memory_space<hbm>>) target(%dma_start3A_12 : memref<128xi32, #tpu.memory_space<vmem>>) offsets(%dma_start3A_14 : memref<128xi32, #tpu.memory_space<vmem>>) semaphore(%arg30 : memref<!tpu.dma_semaphore, #tpu.memory_space<semaphore_mem>>)
    %dma_start3A_17 = arith.constant 256 : i32
    %dma_start3A_18 = tpu.memref_slice %arg16[%dma_start3A_17] : memref<512xi32, #tpu.memory_space<vmem>> -> memref<128xi32, #tpu.memory_space<vmem>>
    %dma_start3A_19 = arith.constant 256 : i32
    %dma_start3A_20 = tpu.memref_slice %arg15[%dma_start3A_19] : memref<512xi32, #tpu.memory_space<vmem>> -> memref<128xi32, #tpu.memory_space<vmem>>
    %dma_start3A_21 = arith.constant 0 : i32
    %dma_start3A_22 = tpu.memref_slice %arg2[%dma_start3A_21] : memref<1000448xi32, #tpu.memory_space<hbm>> -> memref<1000448xi32, #tpu.memory_space<hbm>>
    tpu.enqueue_indirect_dma source(%dma_start3A_22 : memref<1000448xi32, #tpu.memory_space<hbm>>) target(%dma_start3A_18 : memref<128xi32, #tpu.memory_space<vmem>>) offsets(%dma_start3A_20 : memref<128xi32, #tpu.memory_space<vmem>>) semaphore(%arg30 : memref<!tpu.dma_semaphore, #tpu.memory_space<semaphore_mem>>)
    %dma_start3A_23 = arith.constant 384 : i32
    %dma_start3A_24 = tpu.memref_slice %arg16[%dma_start3A_23] : memref<512xi32, #tpu.memory_space<vmem>> -> memref<128xi32, #tpu.memory_space<vmem>>
    %dma_start3A_25 = arith.constant 384 : i32
    %dma_start3A_26 = tpu.memref_slice %arg15[%dma_start3A_25] : memref<512xi32, #tpu.memory_space<vmem>> -> memref<128xi32, #tpu.memory_space<vmem>>
    %dma_start3A_27 = arith.constant 0 : i32
    %dma_start3A_28 = tpu.memref_slice %arg2[%dma_start3A_27] : memref<1000448xi32, #tpu.memory_space<hbm>> -> memref<1000448xi32, #tpu.memory_space<hbm>>
    tpu.enqueue_indirect_dma source(%dma_start3A_28 : memref<1000448xi32, #tpu.memory_space<hbm>>) target(%dma_start3A_24 : memref<128xi32, #tpu.memory_space<vmem>>) offsets(%dma_start3A_26 : memref<128xi32, #tpu.memory_space<vmem>>) semaphore(%arg30 : memref<!tpu.dma_semaphore, #tpu.memory_space<semaphore_mem>>)
    %scan3A = arith.constant 0 : i32
    %scan3A_29 = arith.constant 0 : i32
    %scan3A_30 = arith.constant 32 : i32
    %scan3A_31 = arith.addi %scan3A_29, %scan3A_30 : i32
    %scan3A_32 = arith.constant 1 : i32
    scf.for %scan3A_448 = %scan3A_29 to %scan3A_31 step %scan3A_32  : i32 {
      %mul3A_449 = arith.constant 16 : i32
      %mul3A_450 = arith.muli %scan3A_448, %mul3A_449 : i32
      %multiple_of3A = tpu.assume_multiple %mul3A_450, 16 : i32
      %get3A = arith.index_cast %multiple_of3A : i32 to index
      %get3A_451 = tpu.vector_load %arg15[%get3A] {strides = array<i32>} : memref<512xi32, #tpu.memory_space<vmem>>, vector<16xi32>,
      %mul3A_452 = arith.constant 5 : i32
      %mul3A_453 = vector.broadcast %mul3A_452 : i32 to vector<16xi32>
      %mul3A_454 = arith.muli %get3A_451, %mul3A_453 : vector<16xi32>
      %shift_right_arithmetic3A = arith.constant 1 : i32
      %shift_right_arithmetic3A_455 = vector.broadcast %shift_right_arithmetic3A : i32 to vector<16xi32>
      %shift_right_arithmetic3A_456 = arith.shrsi %mul3A_454, %shift_right_arithmetic3A_455 : vector<16xi32>
      %swap3A = arith.index_cast %multiple_of3A : i32 to index
      %swap3A_457 = tpu.vector_load %arg19[%swap3A] {strides = array<i32>} : memref<512xi32, #tpu.memory_space<vmem>>, vector<16xi32>,
      tpu.vector_store %arg19[%swap3A], %shift_right_arithmetic3A_456 {strides = array<i32>} : memref<512xi32, #tpu.memory_space<vmem>>, vector<16xi32>,
      %add3A_458 = arith.constant 1 : i32
      %add3A_459 = vector.broadcast %add3A_458 : i32 to vector<16xi32>
      %add3A_460 = arith.addi %shift_right_arithmetic3A_456, %add3A_459 : vector<16xi32>
      %swap3A_461 = arith.index_cast %multiple_of3A : i32 to index
      %swap3A_462 = tpu.vector_load %arg20[%swap3A_461] {strides = array<i32>} : memref<512xi32, #tpu.memory_space<vmem>>, vector<16xi32>,
      tpu.vector_store %arg20[%swap3A_461], %add3A_460 {strides = array<i32>} : memref<512xi32, #tpu.memory_space<vmem>>, vector<16xi32>,
      %add3A_463 = arith.constant 2 : i32
      %add3A_464 = vector.broadcast %add3A_463 : i32 to vector<16xi32>
      %add3A_465 = arith.addi %shift_right_arithmetic3A_456, %add3A_464 : vector<16xi32>
      %swap3A_466 = arith.index_cast %multiple_of3A : i32 to index
      %swap3A_467 = tpu.vector_load %arg21[%swap3A_466] {strides = array<i32>} : memref<512xi32, #tpu.memory_space<vmem>>, vector<16xi32>,
      tpu.vector_store %arg21[%swap3A_466], %add3A_465 {strides = array<i32>} : memref<512xi32, #tpu.memory_space<vmem>>, vector<16xi32>,
      %shift_right_arithmetic3A_468 = arith.constant 3 : i32
      %shift_right_arithmetic3A_469 = vector.broadcast %shift_right_arithmetic3A_468 : i32 to vector<16xi32>
      %shift_right_arithmetic3A_470 = arith.shrsi %mul3A_454, %shift_right_arithmetic3A_469 : vector<16xi32>
      %swap3A_471 = arith.index_cast %multiple_of3A : i32 to index
      %swap3A_472 = tpu.vector_load %arg22[%swap3A_471] {strides = array<i32>} : memref<512xi32, #tpu.memory_space<vmem>>, vector<16xi32>,
      tpu.vector_store %arg22[%swap3A_471], %shift_right_arithmetic3A_470 {strides = array<i32>} : memref<512xi32, #tpu.memory_space<vmem>>, vector<16xi32>,
      %add3A_473 = arith.constant 1 : i32
      %add3A_474 = vector.broadcast %add3A_473 : i32 to vector<16xi32>
      %add3A_475 = arith.addi %shift_right_arithmetic3A_470, %add3A_474 : vector<16xi32>
      %min3A = arith.constant 624999 : i32
      %min3A_476 = vector.broadcast %min3A : i32 to vector<16xi32>
      %min3A_477 = arith.minsi %add3A_475, %min3A_476 : vector<16xi32>
      %swap3A_478 = arith.index_cast %multiple_of3A : i32 to index
      %swap3A_479 = tpu.vector_load %arg23[%swap3A_478] {strides = array<i32>} : memref<512xi32, #tpu.memory_space<vmem>>, vector<16xi32>,
      tpu.vector_store %arg23[%swap3A_478], %min3A_477 {strides = array<i32>} : memref<512xi32, #tpu.memory_space<vmem>>, vector<16xi32>,
    }
    %scan3A_33 = arith.constant 32 : i32
    %dma_start3A_34 = arith.constant 0 : i32
    %dma_start3A_35 = arith.constant 0 : i32
    %dma_start3A_36 = tpu.memref_slice %arg24[%dma_start3A_34, %dma_start3A_35] : memref<512x8xf32, #tpu.memory_space<vmem>> -> memref<128x8xf32, #tpu.memory_space<vmem>>
    %dma_start3A_37 = arith.constant 0 : i32
    %dma_start3A_38 = tpu.memref_slice %arg19[%dma_start3A_37] : memref<512xi32, #tpu.memory_space<vmem>> -> memref<128xi32, #tpu.memory_space<vmem>>
    %dma_start3A_39 = arith.constant 0 : i32
    %dma_start3A_40 = arith.constant 0 : i32
    %dma_start3A_41 = tpu.memref_slice %arg4[%dma_start3A_39, %dma_start3A_40] : memref<2500000x8xf32, #tpu.memory_space<hbm>> -> memref<2500000x8xf32, #tpu.memory_space<hbm>>
    tpu.enqueue_indirect_dma source(%dma_start3A_41 : memref<2500000x8xf32, #tpu.memory_space<hbm>>) target(%dma_start3A_36 : memref<128x8xf32, #tpu.memory_space<vmem>>) offsets(%dma_start3A_38 : memref<128xi32, #tpu.memory_space<vmem>>) semaphore(%arg31 : memref<!tpu.dma_semaphore, #tpu.memory_space<semaphore_mem>>)
    %dma_start3A_42 = arith.constant 0 : i32
    %dma_start3A_43 = arith.constant 0 : i32
    %dma_start3A_44 = tpu.memref_slice %arg25[%dma_start3A_42, %dma_start3A_43] : memref<512x8xf32, #tpu.memory_space<vmem>> -> memref<128x8xf32, #tpu.memory_space<vmem>>
    %dma_start3A_45 = arith.constant 0 : i32
    %dma_start3A_46 = tpu.memref_slice %arg20[%dma_start3A_45] : memref<512xi32, #tpu.memory_space<vmem>> -> memref<128xi32, #tpu.memory_space<vmem>>
    %dma_start3A_47 = arith.constant 0 : i32
    %dma_start3A_48 = arith.constant 0 : i32
    %dma_start3A_49 = tpu.memref_slice %arg4[%dma_start3A_47, %dma_start3A_48] : memref<2500000x8xf32, #tpu.memory_space<hbm>> -> memref<2500000x8xf32, #tpu.memory_space<hbm>>
    tpu.enqueue_indirect_dma source(%dma_start3A_49 : memref<2500000x8xf32, #tpu.memory_space<hbm>>) target(%dma_start3A_44 : memref<128x8xf32, #tpu.memory_space<vmem>>) offsets(%dma_start3A_46 : memref<128xi32, #tpu.memory_space<vmem>>) semaphore(%arg31 : memref<!tpu.dma_semaphore, #tpu.memory_space<semaphore_mem>>)
    %dma_start3A_50 = arith.constant 0 : i32
    %dma_start3A_51 = arith.constant 0 : i32
    %dma_start3A_52 = tpu.memref_slice %arg26[%dma_start3A_50, %dma_start3A_51] : memref<512x8xf32, #tpu.memory_space<vmem>> -> memref<128x8xf32, #tpu.memory_space<vmem>>
    %dma_start3A_53 = arith.constant 0 : i32
    %dma_start3A_54 = tpu.memref_slice %arg21[%dma_start3A_53] : memref<512xi32, #tpu.memory_space<vmem>> -> memref<128xi32, #tpu.memory_space<vmem>>
    %dma_start3A_55 = arith.constant 0 : i32
    %dma_start3A_56 = arith.constant 0 : i32
    %dma_start3A_57 = tpu.memref_slice %arg4[%dma_start3A_55, %dma_start3A_56] : memref<2500000x8xf32, #tpu.memory_space<hbm>> -> memref<2500000x8xf32, #tpu.memory_space<hbm>>
    tpu.enqueue_indirect_dma source(%dma_start3A_57 : memref<2500000x8xf32, #tpu.memory_space<hbm>>) target(%dma_start3A_52 : memref<128x8xf32, #tpu.memory_space<vmem>>) offsets(%dma_start3A_54 : memref<128xi32, #tpu.memory_space<vmem>>) semaphore(%arg31 : memref<!tpu.dma_semaphore, #tpu.memory_space<semaphore_mem>>)
    %dma_start3A_58 = arith.constant 128 : i32
    %dma_start3A_59 = arith.constant 0 : i32
    %dma_start3A_60 = tpu.memref_slice %arg24[%dma_start3A_58, %dma_start3A_59] : memref<512x8xf32, #tpu.memory_space<vmem>> -> memref<128x8xf32, #tpu.memory_space<vmem>>
    %dma_start3A_61 = arith.constant 128 : i32
    %dma_start3A_62 = tpu.memref_slice %arg19[%dma_start3A_61] : memref<512xi32, #tpu.memory_space<vmem>> -> memref<128xi32, #tpu.memory_space<vmem>>
    %dma_start3A_63 = arith.constant 0 : i32
    %dma_start3A_64 = arith.constant 0 : i32
    %dma_start3A_65 = tpu.memref_slice %arg4[%dma_start3A_63, %dma_start3A_64] : memref<2500000x8xf32, #tpu.memory_space<hbm>> -> memref<2500000x8xf32, #tpu.memory_space<hbm>>
    tpu.enqueue_indirect_dma source(%dma_start3A_65 : memref<2500000x8xf32, #tpu.memory_space<hbm>>) target(%dma_start3A_60 : memref<128x8xf32, #tpu.memory_space<vmem>>) offsets(%dma_start3A_62 : memref<128xi32, #tpu.memory_space<vmem>>) semaphore(%arg31 : memref<!tpu.dma_semaphore, #tpu.memory_space<semaphore_mem>>)
    %dma_start3A_66 = arith.constant 128 : i32
    %dma_start3A_67 = arith.constant 0 : i32
    %dma_start3A_68 = tpu.memref_slice %arg25[%dma_start3A_66, %dma_start3A_67] : memref<512x8xf32, #tpu.memory_space<vmem>> -> memref<128x8xf32, #tpu.memory_space<vmem>>
    %dma_start3A_69 = arith.constant 128 : i32
    %dma_start3A_70 = tpu.memref_slice %arg20[%dma_start3A_69] : memref<512xi32, #tpu.memory_space<vmem>> -> memref<128xi32, #tpu.memory_space<vmem>>
    %dma_start3A_71 = arith.constant 0 : i32
    %dma_start3A_72 = arith.constant 0 : i32
    %dma_start3A_73 = tpu.memref_slice %arg4[%dma_start3A_71, %dma_start3A_72] : memref<2500000x8xf32, #tpu.memory_space<hbm>> -> memref<2500000x8xf32, #tpu.memory_space<hbm>>
    tpu.enqueue_indirect_dma source(%dma_start3A_73 : memref<2500000x8xf32, #tpu.memory_space<hbm>>) target(%dma_start3A_68 : memref<128x8xf32, #tpu.memory_space<vmem>>) offsets(%dma_start3A_70 : memref<128xi32, #tpu.memory_space<vmem>>) semaphore(%arg31 : memref<!tpu.dma_semaphore, #tpu.memory_space<semaphore_mem>>)
    %dma_start3A_74 = arith.constant 128 : i32
    %dma_start3A_75 = arith.constant 0 : i32
    %dma_start3A_76 = tpu.memref_slice %arg26[%dma_start3A_74, %dma_start3A_75] : memref<512x8xf32, #tpu.memory_space<vmem>> -> memref<128x8xf32, #tpu.memory_space<vmem>>
    %dma_start3A_77 = arith.constant 128 : i32
    %dma_start3A_78 = tpu.memref_slice %arg21[%dma_start3A_77] : memref<512xi32, #tpu.memory_space<vmem>> -> memref<128xi32, #tpu.memory_space<vmem>>
    %dma_start3A_79 = arith.constant 0 : i32
    %dma_start3A_80 = arith.constant 0 : i32
    %dma_start3A_81 = tpu.memref_slice %arg4[%dma_start3A_79, %dma_start3A_80] : memref<2500000x8xf32, #tpu.memory_space<hbm>> -> memref<2500000x8xf32, #tpu.memory_space<hbm>>
    tpu.enqueue_indirect_dma source(%dma_start3A_81 : memref<2500000x8xf32, #tpu.memory_space<hbm>>) target(%dma_start3A_76 : memref<128x8xf32, #tpu.memory_space<vmem>>) offsets(%dma_start3A_78 : memref<128xi32, #tpu.memory_space<vmem>>) semaphore(%arg31 : memref<!tpu.dma_semaphore, #tpu.memory_space<semaphore_mem>>)
    %dma_start3A_82 = arith.constant 256 : i32
    %dma_start3A_83 = arith.constant 0 : i32
    %dma_start3A_84 = tpu.memref_slice %arg24[%dma_start3A_82, %dma_start3A_83] : memref<512x8xf32, #tpu.memory_space<vmem>> -> memref<128x8xf32, #tpu.memory_space<vmem>>
    %dma_start3A_85 = arith.constant 256 : i32
    %dma_start3A_86 = tpu.memref_slice %arg19[%dma_start3A_85] : memref<512xi32, #tpu.memory_space<vmem>> -> memref<128xi32, #tpu.memory_space<vmem>>
    %dma_start3A_87 = arith.constant 0 : i32
    %dma_start3A_88 = arith.constant 0 : i32
    %dma_start3A_89 = tpu.memref_slice %arg4[%dma_start3A_87, %dma_start3A_88] : memref<2500000x8xf32, #tpu.memory_space<hbm>> -> memref<2500000x8xf32, #tpu.memory_space<hbm>>
    tpu.enqueue_indirect_dma source(%dma_start3A_89 : memref<2500000x8xf32, #tpu.memory_space<hbm>>) target(%dma_start3A_84 : memref<128x8xf32, #tpu.memory_space<vmem>>) offsets(%dma_start3A_86 : memref<128xi32, #tpu.memory_space<vmem>>) semaphore(%arg31 : memref<!tpu.dma_semaphore, #tpu.memory_space<semaphore_mem>>)
    %dma_start3A_90 = arith.constant 256 : i32
    %dma_start3A_91 = arith.constant 0 : i32
    %dma_start3A_92 = tpu.memref_slice %arg25[%dma_start3A_90, %dma_start3A_91] : memref<512x8xf32, #tpu.memory_space<vmem>> -> memref<128x8xf32, #tpu.memory_space<vmem>>
    %dma_start3A_93 = arith.constant 256 : i32
    %dma_start3A_94 = tpu.memref_slice %arg20[%dma_start3A_93] : memref<512xi32, #tpu.memory_space<vmem>> -> memref<128xi32, #tpu.memory_space<vmem>>
    %dma_start3A_95 = arith.constant 0 : i32
    %dma_start3A_96 = arith.constant 0 : i32
    %dma_start3A_97 = tpu.memref_slice %arg4[%dma_start3A_95, %dma_start3A_96] : memref<2500000x8xf32, #tpu.memory_space<hbm>> -> memref<2500000x8xf32, #tpu.memory_space<hbm>>
    tpu.enqueue_indirect_dma source(%dma_start3A_97 : memref<2500000x8xf32, #tpu.memory_space<hbm>>) target(%dma_start3A_92 : memref<128x8xf32, #tpu.memory_space<vmem>>) offsets(%dma_start3A_94 : memref<128xi32, #tpu.memory_space<vmem>>) semaphore(%arg31 : memref<!tpu.dma_semaphore, #tpu.memory_space<semaphore_mem>>)
    %dma_start3A_98 = arith.constant 256 : i32
    %dma_start3A_99 = arith.constant 0 : i32
    %dma_start3A_100 = tpu.memref_slice %arg26[%dma_start3A_98, %dma_start3A_99] : memref<512x8xf32, #tpu.memory_space<vmem>> -> memref<128x8xf32, #tpu.memory_space<vmem>>
    %dma_start3A_101 = arith.constant 256 : i32
    %dma_start3A_102 = tpu.memref_slice %arg21[%dma_start3A_101] : memref<512xi32, #tpu.memory_space<vmem>> -> memref<128xi32, #tpu.memory_space<vmem>>
    %dma_start3A_103 = arith.constant 0 : i32
    %dma_start3A_104 = arith.constant 0 : i32
    %dma_start3A_105 = tpu.memref_slice %arg4[%dma_start3A_103, %dma_start3A_104] : memref<2500000x8xf32, #tpu.memory_space<hbm>> -> memref<2500000x8xf32, #tpu.memory_space<hbm>>
    tpu.enqueue_indirect_dma source(%dma_start3A_105 : memref<2500000x8xf32, #tpu.memory_space<hbm>>) target(%dma_start3A_100 : memref<128x8xf32, #tpu.memory_space<vmem>>) offsets(%dma_start3A_102 : memref<128xi32, #tpu.memory_space<vmem>>) semaphore(%arg31 : memref<!tpu.dma_semaphore, #tpu.memory_space<semaphore_mem>>)
    %dma_start3A_106 = arith.constant 384 : i32
    %dma_start3A_107 = arith.constant 0 : i32
    %dma_start3A_108 = tpu.memref_slice %arg24[%dma_start3A_106, %dma_start3A_107] : memref<512x8xf32, #tpu.memory_space<vmem>> -> memref<128x8xf32, #tpu.memory_space<vmem>>
    %dma_start3A_109 = arith.constant 384 : i32
    %dma_start3A_110 = tpu.memref_slice %arg19[%dma_start3A_109] : memref<512xi32, #tpu.memory_space<vmem>> -> memref<128xi32, #tpu.memory_space<vmem>>
    %dma_start3A_111 = arith.constant 0 : i32
    %dma_start3A_112 = arith.constant 0 : i32
    %dma_start3A_113 = tpu.memref_slice %arg4[%dma_start3A_111, %dma_start3A_112] : memref<2500000x8xf32, #tpu.memory_space<hbm>> -> memref<2500000x8xf32, #tpu.memory_space<hbm>>
    tpu.enqueue_indirect_dma source(%dma_start3A_113 : memref<2500000x8xf32, #tpu.memory_space<hbm>>) target(%dma_start3A_108 : memref<128x8xf32, #tpu.memory_space<vmem>>) offsets(%dma_start3A_110 : memref<128xi32, #tpu.memory_space<vmem>>) semaphore(%arg31 : memref<!tpu.dma_semaphore, #tpu.memory_space<semaphore_mem>>)
    %dma_start3A_114 = arith.constant 384 : i32
    %dma_start3A_115 = arith.constant 0 : i32
    %dma_start3A_116 = tpu.memref_slice %arg25[%dma_start3A_114, %dma_start3A_115] : memref<512x8xf32, #tpu.memory_space<vmem>> -> memref<128x8xf32, #tpu.memory_space<vmem>>
    %dma_start3A_117 = arith.constant 384 : i32
    %dma_start3A_118 = tpu.memref_slice %arg20[%dma_start3A_117] : memref<512xi32, #tpu.memory_space<vmem>> -> memref<128xi32, #tpu.memory_space<vmem>>
    %dma_start3A_119 = arith.constant 0 : i32
    %dma_start3A_120 = arith.constant 0 : i32
    %dma_start3A_121 = tpu.memref_slice %arg4[%dma_start3A_119, %dma_start3A_120] : memref<2500000x8xf32, #tpu.memory_space<hbm>> -> memref<2500000x8xf32, #tpu.memory_space<hbm>>
    tpu.enqueue_indirect_dma source(%dma_start3A_121 : memref<2500000x8xf32, #tpu.memory_space<hbm>>) target(%dma_start3A_116 : memref<128x8xf32, #tpu.memory_space<vmem>>) offsets(%dma_start3A_118 : memref<128xi32, #tpu.memory_space<vmem>>) semaphore(%arg31 : memref<!tpu.dma_semaphore, #tpu.memory_space<semaphore_mem>>)
    %dma_start3A_122 = arith.constant 384 : i32
    %dma_start3A_123 = arith.constant 0 : i32
    %dma_start3A_124 = tpu.memref_slice %arg26[%dma_start3A_122, %dma_start3A_123] : memref<512x8xf32, #tpu.memory_space<vmem>> -> memref<128x8xf32, #tpu.memory_space<vmem>>
    %dma_start3A_125 = arith.constant 384 : i32
    %dma_start3A_126 = tpu.memref_slice %arg21[%dma_start3A_125] : memref<512xi32, #tpu.memory_space<vmem>> -> memref<128xi32, #tpu.memory_space<vmem>>
    %dma_start3A_127 = arith.constant 0 : i32
    %dma_start3A_128 = arith.constant 0 : i32
    %dma_start3A_129 = tpu.memref_slice %arg4[%dma_start3A_127, %dma_start3A_128] : memref<2500000x8xf32, #tpu.memory_space<hbm>> -> memref<2500000x8xf32, #tpu.memory_space<hbm>>
    tpu.enqueue_indirect_dma source(%dma_start3A_129 : memref<2500000x8xf32, #tpu.memory_space<hbm>>) target(%dma_start3A_124 : memref<128x8xf32, #tpu.memory_space<vmem>>) offsets(%dma_start3A_126 : memref<128xi32, #tpu.memory_space<vmem>>) semaphore(%arg31 : memref<!tpu.dma_semaphore, #tpu.memory_space<semaphore_mem>>)
    %dma_start3A_130 = arith.constant 0 : i32
    %dma_start3A_131 = arith.constant 0 : i32
    %dma_start3A_132 = tpu.memref_slice %arg27[%dma_start3A_130, %dma_start3A_131] : memref<512x8xf32, #tpu.memory_space<vmem>> -> memref<128x8xf32, #tpu.memory_space<vmem>>
    %dma_start3A_133 = arith.constant 0 : i32
    %dma_start3A_134 = tpu.memref_slice %arg22[%dma_start3A_133] : memref<512xi32, #tpu.memory_space<vmem>> -> memref<128xi32, #tpu.memory_space<vmem>>
    %dma_start3A_135 = arith.constant 0 : i32
    %dma_start3A_136 = arith.constant 0 : i32
    %dma_start3A_137 = tpu.memref_slice %arg5[%dma_start3A_135, %dma_start3A_136] : memref<625000x8xf32, #tpu.memory_space<hbm>> -> memref<625000x8xf32, #tpu.memory_space<hbm>>
    tpu.enqueue_indirect_dma source(%dma_start3A_137 : memref<625000x8xf32, #tpu.memory_space<hbm>>) target(%dma_start3A_132 : memref<128x8xf32, #tpu.memory_space<vmem>>) offsets(%dma_start3A_134 : memref<128xi32, #tpu.memory_space<vmem>>) semaphore(%arg32 : memref<!tpu.dma_semaphore, #tpu.memory_space<semaphore_mem>>)
    %dma_start3A_138 = arith.constant 0 : i32
    %dma_start3A_139 = arith.constant 0 : i32
    %dma_start3A_140 = tpu.memref_slice %arg28[%dma_start3A_138, %dma_start3A_139] : memref<512x8xf32, #tpu.memory_space<vmem>> -> memref<128x8xf32, #tpu.memory_space<vmem>>
    %dma_start3A_141 = arith.constant 0 : i32
    %dma_start3A_142 = tpu.memref_slice %arg23[%dma_start3A_141] : memref<512xi32, #tpu.memory_space<vmem>> -> memref<128xi32, #tpu.memory_space<vmem>>
    %dma_start3A_143 = arith.constant 0 : i32
    %dma_start3A_144 = arith.constant 0 : i32
    %dma_start3A_145 = tpu.memref_slice %arg5[%dma_start3A_143, %dma_start3A_144] : memref<625000x8xf32, #tpu.memory_space<hbm>> -> memref<625000x8xf32, #tpu.memory_space<hbm>>
    tpu.enqueue_indirect_dma source(%dma_start3A_145 : memref<625000x8xf32, #tpu.memory_space<hbm>>) target(%dma_start3A_140 : memref<128x8xf32, #tpu.memory_space<vmem>>) offsets(%dma_start3A_142 : memref<128xi32, #tpu.memory_space<vmem>>) semaphore(%arg32 : memref<!tpu.dma_semaphore, #tpu.memory_space<semaphore_mem>>)
    %dma_start3A_146 = arith.constant 128 : i32
    %dma_start3A_147 = arith.constant 0 : i32
    %dma_start3A_148 = tpu.memref_slice %arg27[%dma_start3A_146, %dma_start3A_147] : memref<512x8xf32, #tpu.memory_space<vmem>> -> memref<128x8xf32, #tpu.memory_space<vmem>>
    %dma_start3A_149 = arith.constant 128 : i32
    %dma_start3A_150 = tpu.memref_slice %arg22[%dma_start3A_149] : memref<512xi32, #tpu.memory_space<vmem>> -> memref<128xi32, #tpu.memory_space<vmem>>
    %dma_start3A_151 = arith.constant 0 : i32
    %dma_start3A_152 = arith.constant 0 : i32
    %dma_start3A_153 = tpu.memref_slice %arg5[%dma_start3A_151, %dma_start3A_152] : memref<625000x8xf32, #tpu.memory_space<hbm>> -> memref<625000x8xf32, #tpu.memory_space<hbm>>
    tpu.enqueue_indirect_dma source(%dma_start3A_153 : memref<625000x8xf32, #tpu.memory_space<hbm>>) target(%dma_start3A_148 : memref<128x8xf32, #tpu.memory_space<vmem>>) offsets(%dma_start3A_150 : memref<128xi32, #tpu.memory_space<vmem>>) semaphore(%arg32 : memref<!tpu.dma_semaphore, #tpu.memory_space<semaphore_mem>>)
    %dma_start3A_154 = arith.constant 128 : i32
    %dma_start3A_155 = arith.constant 0 : i32
    %dma_start3A_156 = tpu.memref_slice %arg28[%dma_start3A_154, %dma_start3A_155] : memref<512x8xf32, #tpu.memory_space<vmem>> -> memref<128x8xf32, #tpu.memory_space<vmem>>
    %dma_start3A_157 = arith.constant 128 : i32
    %dma_start3A_158 = tpu.memref_slice %arg23[%dma_start3A_157] : memref<512xi32, #tpu.memory_space<vmem>> -> memref<128xi32, #tpu.memory_space<vmem>>
    %dma_start3A_159 = arith.constant 0 : i32
    %dma_start3A_160 = arith.constant 0 : i32
    %dma_start3A_161 = tpu.memref_slice %arg5[%dma_start3A_159, %dma_start3A_160] : memref<625000x8xf32, #tpu.memory_space<hbm>> -> memref<625000x8xf32, #tpu.memory_space<hbm>>
    tpu.enqueue_indirect_dma source(%dma_start3A_161 : memref<625000x8xf32, #tpu.memory_space<hbm>>) target(%dma_start3A_156 : memref<128x8xf32, #tpu.memory_space<vmem>>) offsets(%dma_start3A_158 : memref<128xi32, #tpu.memory_space<vmem>>) semaphore(%arg32 : memref<!tpu.dma_semaphore, #tpu.memory_space<semaphore_mem>>)
    %dma_start3A_162 = arith.constant 256 : i32
    %dma_start3A_163 = arith.constant 0 : i32
    %dma_start3A_164 = tpu.memref_slice %arg27[%dma_start3A_162, %dma_start3A_163] : memref<512x8xf32, #tpu.memory_space<vmem>> -> memref<128x8xf32, #tpu.memory_space<vmem>>
    %dma_start3A_165 = arith.constant 256 : i32
    %dma_start3A_166 = tpu.memref_slice %arg22[%dma_start3A_165] : memref<512xi32, #tpu.memory_space<vmem>> -> memref<128xi32, #tpu.memory_space<vmem>>
    %dma_start3A_167 = arith.constant 0 : i32
    %dma_start3A_168 = arith.constant 0 : i32
    %dma_start3A_169 = tpu.memref_slice %arg5[%dma_start3A_167, %dma_start3A_168] : memref<625000x8xf32, #tpu.memory_space<hbm>> -> memref<625000x8xf32, #tpu.memory_space<hbm>>
    tpu.enqueue_indirect_dma source(%dma_start3A_169 : memref<625000x8xf32, #tpu.memory_space<hbm>>) target(%dma_start3A_164 : memref<128x8xf32, #tpu.memory_space<vmem>>) offsets(%dma_start3A_166 : memref<128xi32, #tpu.memory_space<vmem>>) semaphore(%arg32 : memref<!tpu.dma_semaphore, #tpu.memory_space<semaphore_mem>>)
    %dma_start3A_170 = arith.constant 256 : i32
    %dma_start3A_171 = arith.constant 0 : i32
    %dma_start3A_172 = tpu.memref_slice %arg28[%dma_start3A_170, %dma_start3A_171] : memref<512x8xf32, #tpu.memory_space<vmem>> -> memref<128x8xf32, #tpu.memory_space<vmem>>
    %dma_start3A_173 = arith.constant 256 : i32
    %dma_start3A_174 = tpu.memref_slice %arg23[%dma_start3A_173] : memref<512xi32, #tpu.memory_space<vmem>> -> memref<128xi32, #tpu.memory_space<vmem>>
    %dma_start3A_175 = arith.constant 0 : i32
    %dma_start3A_176 = arith.constant 0 : i32
    %dma_start3A_177 = tpu.memref_slice %arg5[%dma_start3A_175, %dma_start3A_176] : memref<625000x8xf32, #tpu.memory_space<hbm>> -> memref<625000x8xf32, #tpu.memory_space<hbm>>
    tpu.enqueue_indirect_dma source(%dma_start3A_177 : memref<625000x8xf32, #tpu.memory_space<hbm>>) target(%dma_start3A_172 : memref<128x8xf32, #tpu.memory_space<vmem>>) offsets(%dma_start3A_174 : memref<128xi32, #tpu.memory_space<vmem>>) semaphore(%arg32 : memref<!tpu.dma_semaphore, #tpu.memory_space<semaphore_mem>>)
    %dma_start3A_178 = arith.constant 384 : i32
    %dma_start3A_179 = arith.constant 0 : i32
    %dma_start3A_180 = tpu.memref_slice %arg27[%dma_start3A_178, %dma_start3A_179] : memref<512x8xf32, #tpu.memory_space<vmem>> -> memref<128x8xf32, #tpu.memory_space<vmem>>
    %dma_start3A_181 = arith.constant 384 : i32
    %dma_start3A_182 = tpu.memref_slice %arg22[%dma_start3A_181] : memref<512xi32, #tpu.memory_space<vmem>> -> memref<128xi32, #tpu.memory_space<vmem>>
    %dma_start3A_183 = arith.constant 0 : i32
    %dma_start3A_184 = arith.constant 0 : i32
    %dma_start3A_185 = tpu.memref_slice %arg5[%dma_start3A_183, %dma_start3A_184] : memref<625000x8xf32, #tpu.memory_space<hbm>> -> memref<625000x8xf32, #tpu.memory_space<hbm>>
    tpu.enqueue_indirect_dma source(%dma_start3A_185 : memref<625000x8xf32, #tpu.memory_space<hbm>>) target(%dma_start3A_180 : memref<128x8xf32, #tpu.memory_space<vmem>>) offsets(%dma_start3A_182 : memref<128xi32, #tpu.memory_space<vmem>>) semaphore(%arg32 : memref<!tpu.dma_semaphore, #tpu.memory_space<semaphore_mem>>)
    %dma_start3A_186 = arith.constant 384 : i32
    %dma_start3A_187 = arith.constant 0 : i32
    %dma_start3A_188 = tpu.memref_slice %arg28[%dma_start3A_186, %dma_start3A_187] : memref<512x8xf32, #tpu.memory_space<vmem>> -> memref<128x8xf32, #tpu.memory_space<vmem>>
    %dma_start3A_189 = arith.constant 384 : i32
    %dma_start3A_190 = tpu.memref_slice %arg23[%dma_start3A_189] : memref<512xi32, #tpu.memory_space<vmem>> -> memref<128xi32, #tpu.memory_space<vmem>>
    %dma_start3A_191 = arith.constant 0 : i32
    %dma_start3A_192 = arith.constant 0 : i32
    %dma_start3A_193 = tpu.memref_slice %arg5[%dma_start3A_191, %dma_start3A_192] : memref<625000x8xf32, #tpu.memory_space<hbm>> -> memref<625000x8xf32, #tpu.memory_space<hbm>>
    tpu.enqueue_indirect_dma source(%dma_start3A_193 : memref<625000x8xf32, #tpu.memory_space<hbm>>) target(%dma_start3A_188 : memref<128x8xf32, #tpu.memory_space<vmem>>) offsets(%dma_start3A_190 : memref<128xi32, #tpu.memory_space<vmem>>) semaphore(%arg32 : memref<!tpu.dma_semaphore, #tpu.memory_space<semaphore_mem>>)
    %dma_wait3A_194 = arith.constant 0 : i32
    %dma_wait3A_195 = tpu.memref_slice %arg16[%dma_wait3A_194] : memref<512xi32, #tpu.memory_space<vmem>> -> memref<128xi32, #tpu.memory_space<vmem>>
    %dma_wait3A_196 = arith.constant 0 : i32
    %dma_wait3A_197 = tpu.memref_slice %arg15[%dma_wait3A_196] : memref<512xi32, #tpu.memory_space<vmem>> -> memref<128xi32, #tpu.memory_space<vmem>>
    %dma_wait3A_198 = arith.constant 0 : i32
    %dma_wait3A_199 = tpu.memref_slice %arg2[%dma_wait3A_198] : memref<1000448xi32, #tpu.memory_space<hbm>> -> memref<1000448xi32, #tpu.memory_space<hbm>>
    tpu.wait_indirect_dma semaphore(%arg30 : memref<!tpu.dma_semaphore, #tpu.memory_space<semaphore_mem>>) src(%dma_wait3A_199 : memref<1000448xi32, #tpu.memory_space<hbm>>) dst(%dma_wait3A_195 : memref<128xi32, #tpu.memory_space<vmem>>)
    %dma_wait3A_200 = arith.constant 128 : i32
    %dma_wait3A_201 = tpu.memref_slice %arg16[%dma_wait3A_200] : memref<512xi32, #tpu.memory_space<vmem>> -> memref<128xi32, #tpu.memory_space<vmem>>
    %dma_wait3A_202 = arith.constant 128 : i32
    %dma_wait3A_203 = tpu.memref_slice %arg15[%dma_wait3A_202] : memref<512xi32, #tpu.memory_space<vmem>> -> memref<128xi32, #tpu.memory_space<vmem>>
    %dma_wait3A_204 = arith.constant 0 : i32
    %dma_wait3A_205 = tpu.memref_slice %arg2[%dma_wait3A_204] : memref<1000448xi32, #tpu.memory_space<hbm>> -> memref<1000448xi32, #tpu.memory_space<hbm>>
    tpu.wait_indirect_dma semaphore(%arg30 : memref<!tpu.dma_semaphore, #tpu.memory_space<semaphore_mem>>) src(%dma_wait3A_205 : memref<1000448xi32, #tpu.memory_space<hbm>>) dst(%dma_wait3A_201 : memref<128xi32, #tpu.memory_space<vmem>>)
    %dma_wait3A_206 = arith.constant 256 : i32
    %dma_wait3A_207 = tpu.memref_slice %arg16[%dma_wait3A_206] : memref<512xi32, #tpu.memory_space<vmem>> -> memref<128xi32, #tpu.memory_space<vmem>>
    %dma_wait3A_208 = arith.constant 256 : i32
    %dma_wait3A_209 = tpu.memref_slice %arg15[%dma_wait3A_208] : memref<512xi32, #tpu.memory_space<vmem>> -> memref<128xi32, #tpu.memory_space<vmem>>
    %dma_wait3A_210 = arith.constant 0 : i32
    %dma_wait3A_211 = tpu.memref_slice %arg2[%dma_wait3A_210] : memref<1000448xi32, #tpu.memory_space<hbm>> -> memref<1000448xi32, #tpu.memory_space<hbm>>
    tpu.wait_indirect_dma semaphore(%arg30 : memref<!tpu.dma_semaphore, #tpu.memory_space<semaphore_mem>>) src(%dma_wait3A_211 : memref<1000448xi32, #tpu.memory_space<hbm>>) dst(%dma_wait3A_207 : memref<128xi32, #tpu.memory_space<vmem>>)
    %dma_wait3A_212 = arith.constant 384 : i32
    %dma_wait3A_213 = tpu.memref_slice %arg16[%dma_wait3A_212] : memref<512xi32, #tpu.memory_space<vmem>> -> memref<128xi32, #tpu.memory_space<vmem>>
    %dma_wait3A_214 = arith.constant 384 : i32
    %dma_wait3A_215 = tpu.memref_slice %arg15[%dma_wait3A_214] : memref<512xi32, #tpu.memory_space<vmem>> -> memref<128xi32, #tpu.memory_space<vmem>>
    %dma_wait3A_216 = arith.constant 0 : i32
    %dma_wait3A_217 = tpu.memref_slice %arg2[%dma_wait3A_216] : memref<1000448xi32, #tpu.memory_space<hbm>> -> memref<1000448xi32, #tpu.memory_space<hbm>>
    tpu.wait_indirect_dma semaphore(%arg30 : memref<!tpu.dma_semaphore, #tpu.memory_space<semaphore_mem>>) src(%dma_wait3A_217 : memref<1000448xi32, #tpu.memory_space<hbm>>) dst(%dma_wait3A_213 : memref<128xi32, #tpu.memory_space<vmem>>)
    %scan3A_218 = arith.constant 0 : i32
    %scan3A_219 = arith.constant 0 : i32
    %scan3A_220 = arith.constant 32 : i32
    %scan3A_221 = arith.addi %scan3A_219, %scan3A_220 : i32
    %scan3A_222 = arith.constant 1 : i32
    scf.for %scan3A_448 = %scan3A_219 to %scan3A_221 step %scan3A_222  : i32 {
      %mul3A_449 = arith.constant 16 : i32
      %mul3A_450 = arith.muli %scan3A_448, %mul3A_449 : i32
      %multiple_of3A = tpu.assume_multiple %mul3A_450, 16 : i32
      %get3A = arith.index_cast %multiple_of3A : i32 to index
      %get3A_451 = tpu.vector_load %arg16[%get3A] {strides = array<i32>} : memref<512xi32, #tpu.memory_space<vmem>>, vector<16xi32>,
      %shift_right_arithmetic3A = arith.constant 16 : i32
      %shift_right_arithmetic3A_452 = vector.broadcast %shift_right_arithmetic3A : i32 to vector<16xi32>
      %shift_right_arithmetic3A_453 = arith.shrsi %get3A_451, %shift_right_arithmetic3A_452 : vector<16xi32>
      %sub3A = arith.constant 1 : i32
      %sub3A_454 = vector.broadcast %sub3A : i32 to vector<16xi32>
      %sub3A_455 = arith.subi %shift_right_arithmetic3A_453, %sub3A_454 : vector<16xi32>
      %and3A = arith.constant 65535 : i32
      %and3A_456 = vector.broadcast %and3A : i32 to vector<16xi32>
      %and3A_457 = arith.andi %get3A_451, %and3A_456 : vector<16xi32>
      %convert_element_type3A = arith.sitofp %and3A_457 : vector<16xi32> to vector<16xf32>
      %bitcast_convert_type3A = tpu.bitcast %convert_element_type3A : vector<16xf32> -> vector<16xi32>
      %shift_right_arithmetic3A_458 = arith.constant 23 : i32
      %shift_right_arithmetic3A_459 = vector.broadcast %shift_right_arithmetic3A_458 : i32 to vector<16xi32>
      %shift_right_arithmetic3A_460 = arith.shrsi %bitcast_convert_type3A, %shift_right_arithmetic3A_459 : vector<16xi32>
      %sub3A_461 = arith.constant 127 : i32
      %sub3A_462 = vector.broadcast %sub3A_461 : i32 to vector<16xi32>
      %sub3A_463 = arith.subi %shift_right_arithmetic3A_460, %sub3A_462 : vector<16xi32>
      %ge3A = arith.constant 0 : i32
      %ge3A_464 = vector.broadcast %ge3A : i32 to vector<16xi32>
      %ge3A_465 = arith.cmpi sge, %sub3A_455, %ge3A_464 : vector<16xi32>
      %mul3A_466 = arith.constant 16 : i32
      %mul3A_467 = vector.broadcast %mul3A_466 : i32 to vector<16xi32>
      %mul3A_468 = arith.muli %sub3A_455, %mul3A_467 : vector<16xi32>
      %add3A_469 = arith.addi %mul3A_468, %sub3A_463 : vector<16xi32>
      %jit3A = arith.constant -1 : i32
      %broadcast_in_dim3A = vector.broadcast %jit3A : i32 to vector<16xi32>
      %select_n3A = arith.select %ge3A_465, %add3A_469, %broadcast_in_dim3A : vector<16xi1>, vector<16xi32>
      %swap3A = arith.index_cast %multiple_of3A : i32 to index
      %swap3A_470 = tpu.vector_load %arg17[%swap3A] {strides = array<i32>} : memref<512xi32, #tpu.memory_space<vmem>>, vector<16xi32>,
      tpu.vector_store %arg17[%swap3A], %select_n3A {strides = array<i32>} : memref<512xi32, #tpu.memory_space<vmem>>, vector<16xi32>,
      %max3A = arith.constant 0 : i32
      %max3A_471 = vector.broadcast %max3A : i32 to vector<16xi32>
      %max3A_472 = arith.maxsi %select_n3A, %max3A_471 : vector<16xi32>
      %swap3A_473 = arith.index_cast %multiple_of3A : i32 to index
      %swap3A_474 = tpu.vector_load %arg18[%swap3A_473] {strides = array<i32>} : memref<512xi32, #tpu.memory_space<vmem>>, vector<16xi32>,
      tpu.vector_store %arg18[%swap3A_473], %max3A_472 {strides = array<i32>} : memref<512xi32, #tpu.memory_space<vmem>>, vector<16xi32>,
    }
    %scan3A_223 = arith.constant 32 : i32
    %dma_start3A_224 = arith.constant 0 : i32
    %dma_start3A_225 = arith.constant 0 : i32
    %dma_start3A_226 = tpu.memref_slice %arg29[%dma_start3A_224, %dma_start3A_225] : memref<512x8xf32, #tpu.memory_space<vmem>> -> memref<128x8xf32, #tpu.memory_space<vmem>>
    %dma_start3A_227 = arith.constant 0 : i32
    %dma_start3A_228 = tpu.memref_slice %arg18[%dma_start3A_227] : memref<512xi32, #tpu.memory_space<vmem>> -> memref<128xi32, #tpu.memory_space<vmem>>
    %dma_start3A_229 = arith.constant 0 : i32
    %dma_start3A_230 = arith.constant 0 : i32
    %dma_start3A_231 = tpu.memref_slice %arg6[%dma_start3A_229, %dma_start3A_230] : memref<16384x8xf32, #tpu.memory_space<hbm>> -> memref<16384x8xf32, #tpu.memory_space<hbm>>
    tpu.enqueue_indirect_dma source(%dma_start3A_231 : memref<16384x8xf32, #tpu.memory_space<hbm>>) target(%dma_start3A_226 : memref<128x8xf32, #tpu.memory_space<vmem>>) offsets(%dma_start3A_228 : memref<128xi32, #tpu.memory_space<vmem>>) semaphore(%arg33 : memref<!tpu.dma_semaphore, #tpu.memory_space<semaphore_mem>>)
    %dma_start3A_232 = arith.constant 128 : i32
    %dma_start3A_233 = arith.constant 0 : i32
    %dma_start3A_234 = tpu.memref_slice %arg29[%dma_start3A_232, %dma_start3A_233] : memref<512x8xf32, #tpu.memory_space<vmem>> -> memref<128x8xf32, #tpu.memory_space<vmem>>
    %dma_start3A_235 = arith.constant 128 : i32
    %dma_start3A_236 = tpu.memref_slice %arg18[%dma_start3A_235] : memref<512xi32, #tpu.memory_space<vmem>> -> memref<128xi32, #tpu.memory_space<vmem>>
    %dma_start3A_237 = arith.constant 0 : i32
    %dma_start3A_238 = arith.constant 0 : i32
    %dma_start3A_239 = tpu.memref_slice %arg6[%dma_start3A_237, %dma_start3A_238] : memref<16384x8xf32, #tpu.memory_space<hbm>> -> memref<16384x8xf32, #tpu.memory_space<hbm>>
    tpu.enqueue_indirect_dma source(%dma_start3A_239 : memref<16384x8xf32, #tpu.memory_space<hbm>>) target(%dma_start3A_234 : memref<128x8xf32, #tpu.memory_space<vmem>>) offsets(%dma_start3A_236 : memref<128xi32, #tpu.memory_space<vmem>>) semaphore(%arg33 : memref<!tpu.dma_semaphore, #tpu.memory_space<semaphore_mem>>)
    %dma_start3A_240 = arith.constant 256 : i32
    %dma_start3A_241 = arith.constant 0 : i32
    %dma_start3A_242 = tpu.memref_slice %arg29[%dma_start3A_240, %dma_start3A_241] : memref<512x8xf32, #tpu.memory_space<vmem>> -> memref<128x8xf32, #tpu.memory_space<vmem>>
    %dma_start3A_243 = arith.constant 256 : i32
    %dma_start3A_244 = tpu.memref_slice %arg18[%dma_start3A_243] : memref<512xi32, #tpu.memory_space<vmem>> -> memref<128xi32, #tpu.memory_space<vmem>>
    %dma_start3A_245 = arith.constant 0 : i32
    %dma_start3A_246 = arith.constant 0 : i32
    %dma_start3A_247 = tpu.memref_slice %arg6[%dma_start3A_245, %dma_start3A_246] : memref<16384x8xf32, #tpu.memory_space<hbm>> -> memref<16384x8xf32, #tpu.memory_space<hbm>>
    tpu.enqueue_indirect_dma source(%dma_start3A_247 : memref<16384x8xf32, #tpu.memory_space<hbm>>) target(%dma_start3A_242 : memref<128x8xf32, #tpu.memory_space<vmem>>) offsets(%dma_start3A_244 : memref<128xi32, #tpu.memory_space<vmem>>) semaphore(%arg33 : memref<!tpu.dma_semaphore, #tpu.memory_space<semaphore_mem>>)
    %dma_start3A_248 = arith.constant 384 : i32
    %dma_start3A_249 = arith.constant 0 : i32
    %dma_start3A_250 = tpu.memref_slice %arg29[%dma_start3A_248, %dma_start3A_249] : memref<512x8xf32, #tpu.memory_space<vmem>> -> memref<128x8xf32, #tpu.memory_space<vmem>>
    %dma_start3A_251 = arith.constant 384 : i32
    %dma_start3A_252 = tpu.memref_slice %arg18[%dma_start3A_251] : memref<512xi32, #tpu.memory_space<vmem>> -> memref<128xi32, #tpu.memory_space<vmem>>
    %dma_start3A_253 = arith.constant 0 : i32
    %dma_start3A_254 = arith.constant 0 : i32
    %dma_start3A_255 = tpu.memref_slice %arg6[%dma_start3A_253, %dma_start3A_254] : memref<16384x8xf32, #tpu.memory_space<hbm>> -> memref<16384x8xf32, #tpu.memory_space<hbm>>
    tpu.enqueue_indirect_dma source(%dma_start3A_255 : memref<16384x8xf32, #tpu.memory_space<hbm>>) target(%dma_start3A_250 : memref<128x8xf32, #tpu.memory_space<vmem>>) offsets(%dma_start3A_252 : memref<128xi32, #tpu.memory_space<vmem>>) semaphore(%arg33 : memref<!tpu.dma_semaphore, #tpu.memory_space<semaphore_mem>>)
    "tpu.region"() ({
      %run_scoped3A = tpu.sem_alloc : memref<!tpu.dma_semaphore, #tpu.memory_space<semaphore_mem>>
      %dma_start3A_448 = tpu.memref_slice %arg7[%mul3A_2] : memref<16384xi32, #tpu.memory_space<hbm>> -> memref<512xi32, #tpu.memory_space<hbm>>
      %dma_start3A_449 = tpu.memref_slice %arg7[%mul3A_2] : memref<16384xi32, #tpu.memory_space<hbm>> -> memref<512xi32, #tpu.memory_space<hbm>>
      tpu.enqueue_dma source(%arg17 : memref<512xi32, #tpu.memory_space<vmem>>) target(%dma_start3A_449 : memref<512xi32, #tpu.memory_space<hbm>>) target_semaphore(%run_scoped3A : memref<!tpu.dma_semaphore, #tpu.memory_space<semaphore_mem>>)
      %dma_wait3A_450 = tpu.memref_slice %arg7[%mul3A_2] : memref<16384xi32, #tpu.memory_space<hbm>> -> memref<512xi32, #tpu.memory_space<hbm>>
      %dma_wait3A_451 = tpu.memref_slice %arg7[%mul3A_2] : memref<16384xi32, #tpu.memory_space<hbm>> -> memref<512xi32, #tpu.memory_space<hbm>>
      tpu.wait_dma2 semaphore(%run_scoped3A : memref<!tpu.dma_semaphore, #tpu.memory_space<semaphore_mem>>) src(%arg17 : memref<512xi32, #tpu.memory_space<vmem>>) dst(%dma_wait3A_451 : memref<512xi32, #tpu.memory_space<hbm>>)
      tpu.yield
    }) : () -> ()
    "tpu.region"() ({
      %run_scoped3A = tpu.sem_alloc : memref<!tpu.dma_semaphore, #tpu.memory_space<semaphore_mem>>
      %dma_start3A_448 = tpu.memref_slice %arg8[%mul3A_2] : memref<16384xi32, #tpu.memory_space<hbm>> -> memref<512xi32, #tpu.memory_space<hbm>>
      %dma_start3A_449 = tpu.memref_slice %arg8[%mul3A_2] : memref<16384xi32, #tpu.memory_space<hbm>> -> memref<512xi32, #tpu.memory_space<hbm>>
      tpu.enqueue_dma source(%arg15 : memref<512xi32, #tpu.memory_space<vmem>>) target(%dma_start3A_449 : memref<512xi32, #tpu.memory_space<hbm>>) target_semaphore(%run_scoped3A : memref<!tpu.dma_semaphore, #tpu.memory_space<semaphore_mem>>)
      %dma_wait3A_450 = tpu.memref_slice %arg8[%mul3A_2] : memref<16384xi32, #tpu.memory_space<hbm>> -> memref<512xi32, #tpu.memory_space<hbm>>
      %dma_wait3A_451 = tpu.memref_slice %arg8[%mul3A_2] : memref<16384xi32, #tpu.memory_space<hbm>> -> memref<512xi32, #tpu.memory_space<hbm>>
      tpu.wait_dma2 semaphore(%run_scoped3A : memref<!tpu.dma_semaphore, #tpu.memory_space<semaphore_mem>>) src(%arg15 : memref<512xi32, #tpu.memory_space<vmem>>) dst(%dma_wait3A_451 : memref<512xi32, #tpu.memory_space<hbm>>)
      tpu.yield
    }) : () -> ()
    %dma_wait3A_256 = arith.constant 0 : i32
    %dma_wait3A_257 = arith.constant 0 : i32
    %dma_wait3A_258 = tpu.memref_slice %arg24[%dma_wait3A_256, %dma_wait3A_257] : memref<512x8xf32, #tpu.memory_space<vmem>> -> memref<128x8xf32, #tpu.memory_space<vmem>>
    %dma_wait3A_259 = arith.constant 0 : i32
    %dma_wait3A_260 = tpu.memref_slice %arg19[%dma_wait3A_259] : memref<512xi32, #tpu.memory_space<vmem>> -> memref<128xi32, #tpu.memory_space<vmem>>
    %dma_wait3A_261 = arith.constant 0 : i32
    %dma_wait3A_262 = arith.constant 0 : i32
    %dma_wait3A_263 = tpu.memref_slice %arg4[%dma_wait3A_261, %dma_wait3A_262] : memref<2500000x8xf32, #tpu.memory_space<hbm>> -> memref<2500000x8xf32, #tpu.memory_space<hbm>>
    tpu.wait_indirect_dma semaphore(%arg31 : memref<!tpu.dma_semaphore, #tpu.memory_space<semaphore_mem>>) src(%dma_wait3A_263 : memref<2500000x8xf32, #tpu.memory_space<hbm>>) dst(%dma_wait3A_258 : memref<128x8xf32, #tpu.memory_space<vmem>>)
    %dma_wait3A_264 = arith.constant 0 : i32
    %dma_wait3A_265 = arith.constant 0 : i32
    %dma_wait3A_266 = tpu.memref_slice %arg25[%dma_wait3A_264, %dma_wait3A_265] : memref<512x8xf32, #tpu.memory_space<vmem>> -> memref<128x8xf32, #tpu.memory_space<vmem>>
    %dma_wait3A_267 = arith.constant 0 : i32
    %dma_wait3A_268 = tpu.memref_slice %arg20[%dma_wait3A_267] : memref<512xi32, #tpu.memory_space<vmem>> -> memref<128xi32, #tpu.memory_space<vmem>>
    %dma_wait3A_269 = arith.constant 0 : i32
    %dma_wait3A_270 = arith.constant 0 : i32
    %dma_wait3A_271 = tpu.memref_slice %arg4[%dma_wait3A_269, %dma_wait3A_270] : memref<2500000x8xf32, #tpu.memory_space<hbm>> -> memref<2500000x8xf32, #tpu.memory_space<hbm>>
    tpu.wait_indirect_dma semaphore(%arg31 : memref<!tpu.dma_semaphore, #tpu.memory_space<semaphore_mem>>) src(%dma_wait3A_271 : memref<2500000x8xf32, #tpu.memory_space<hbm>>) dst(%dma_wait3A_266 : memref<128x8xf32, #tpu.memory_space<vmem>>)
    %dma_wait3A_272 = arith.constant 0 : i32
    %dma_wait3A_273 = arith.constant 0 : i32
    %dma_wait3A_274 = tpu.memref_slice %arg26[%dma_wait3A_272, %dma_wait3A_273] : memref<512x8xf32, #tpu.memory_space<vmem>> -> memref<128x8xf32, #tpu.memory_space<vmem>>
    %dma_wait3A_275 = arith.constant 0 : i32
    %dma_wait3A_276 = tpu.memref_slice %arg21[%dma_wait3A_275] : memref<512xi32, #tpu.memory_space<vmem>> -> memref<128xi32, #tpu.memory_space<vmem>>
    %dma_wait3A_277 = arith.constant 0 : i32
    %dma_wait3A_278 = arith.constant 0 : i32
    %dma_wait3A_279 = tpu.memref_slice %arg4[%dma_wait3A_277, %dma_wait3A_278] : memref<2500000x8xf32, #tpu.memory_space<hbm>> -> memref<2500000x8xf32, #tpu.memory_space<hbm>>
    tpu.wait_indirect_dma semaphore(%arg31 : memref<!tpu.dma_semaphore, #tpu.memory_space<semaphore_mem>>) src(%dma_wait3A_279 : memref<2500000x8xf32, #tpu.memory_space<hbm>>) dst(%dma_wait3A_274 : memref<128x8xf32, #tpu.memory_space<vmem>>)
    %dma_wait3A_280 = arith.constant 128 : i32
    %dma_wait3A_281 = arith.constant 0 : i32
    %dma_wait3A_282 = tpu.memref_slice %arg24[%dma_wait3A_280, %dma_wait3A_281] : memref<512x8xf32, #tpu.memory_space<vmem>> -> memref<128x8xf32, #tpu.memory_space<vmem>>
    %dma_wait3A_283 = arith.constant 128 : i32
    %dma_wait3A_284 = tpu.memref_slice %arg19[%dma_wait3A_283] : memref<512xi32, #tpu.memory_space<vmem>> -> memref<128xi32, #tpu.memory_space<vmem>>
    %dma_wait3A_285 = arith.constant 0 : i32
    %dma_wait3A_286 = arith.constant 0 : i32
    %dma_wait3A_287 = tpu.memref_slice %arg4[%dma_wait3A_285, %dma_wait3A_286] : memref<2500000x8xf32, #tpu.memory_space<hbm>> -> memref<2500000x8xf32, #tpu.memory_space<hbm>>
    tpu.wait_indirect_dma semaphore(%arg31 : memref<!tpu.dma_semaphore, #tpu.memory_space<semaphore_mem>>) src(%dma_wait3A_287 : memref<2500000x8xf32, #tpu.memory_space<hbm>>) dst(%dma_wait3A_282 : memref<128x8xf32, #tpu.memory_space<vmem>>)
    %dma_wait3A_288 = arith.constant 128 : i32
    %dma_wait3A_289 = arith.constant 0 : i32
    %dma_wait3A_290 = tpu.memref_slice %arg25[%dma_wait3A_288, %dma_wait3A_289] : memref<512x8xf32, #tpu.memory_space<vmem>> -> memref<128x8xf32, #tpu.memory_space<vmem>>
    %dma_wait3A_291 = arith.constant 128 : i32
    %dma_wait3A_292 = tpu.memref_slice %arg20[%dma_wait3A_291] : memref<512xi32, #tpu.memory_space<vmem>> -> memref<128xi32, #tpu.memory_space<vmem>>
    %dma_wait3A_293 = arith.constant 0 : i32
    %dma_wait3A_294 = arith.constant 0 : i32
    %dma_wait3A_295 = tpu.memref_slice %arg4[%dma_wait3A_293, %dma_wait3A_294] : memref<2500000x8xf32, #tpu.memory_space<hbm>> -> memref<2500000x8xf32, #tpu.memory_space<hbm>>
    tpu.wait_indirect_dma semaphore(%arg31 : memref<!tpu.dma_semaphore, #tpu.memory_space<semaphore_mem>>) src(%dma_wait3A_295 : memref<2500000x8xf32, #tpu.memory_space<hbm>>) dst(%dma_wait3A_290 : memref<128x8xf32, #tpu.memory_space<vmem>>)
    %dma_wait3A_296 = arith.constant 128 : i32
    %dma_wait3A_297 = arith.constant 0 : i32
    %dma_wait3A_298 = tpu.memref_slice %arg26[%dma_wait3A_296, %dma_wait3A_297] : memref<512x8xf32, #tpu.memory_space<vmem>> -> memref<128x8xf32, #tpu.memory_space<vmem>>
    %dma_wait3A_299 = arith.constant 128 : i32
    %dma_wait3A_300 = tpu.memref_slice %arg21[%dma_wait3A_299] : memref<512xi32, #tpu.memory_space<vmem>> -> memref<128xi32, #tpu.memory_space<vmem>>
    %dma_wait3A_301 = arith.constant 0 : i32
    %dma_wait3A_302 = arith.constant 0 : i32
    %dma_wait3A_303 = tpu.memref_slice %arg4[%dma_wait3A_301, %dma_wait3A_302] : memref<2500000x8xf32, #tpu.memory_space<hbm>> -> memref<2500000x8xf32, #tpu.memory_space<hbm>>
    tpu.wait_indirect_dma semaphore(%arg31 : memref<!tpu.dma_semaphore, #tpu.memory_space<semaphore_mem>>) src(%dma_wait3A_303 : memref<2500000x8xf32, #tpu.memory_space<hbm>>) dst(%dma_wait3A_298 : memref<128x8xf32, #tpu.memory_space<vmem>>)
    %dma_wait3A_304 = arith.constant 256 : i32
    %dma_wait3A_305 = arith.constant 0 : i32
    %dma_wait3A_306 = tpu.memref_slice %arg24[%dma_wait3A_304, %dma_wait3A_305] : memref<512x8xf32, #tpu.memory_space<vmem>> -> memref<128x8xf32, #tpu.memory_space<vmem>>
    %dma_wait3A_307 = arith.constant 256 : i32
    %dma_wait3A_308 = tpu.memref_slice %arg19[%dma_wait3A_307] : memref<512xi32, #tpu.memory_space<vmem>> -> memref<128xi32, #tpu.memory_space<vmem>>
    %dma_wait3A_309 = arith.constant 0 : i32
    %dma_wait3A_310 = arith.constant 0 : i32
    %dma_wait3A_311 = tpu.memref_slice %arg4[%dma_wait3A_309, %dma_wait3A_310] : memref<2500000x8xf32, #tpu.memory_space<hbm>> -> memref<2500000x8xf32, #tpu.memory_space<hbm>>
    tpu.wait_indirect_dma semaphore(%arg31 : memref<!tpu.dma_semaphore, #tpu.memory_space<semaphore_mem>>) src(%dma_wait3A_311 : memref<2500000x8xf32, #tpu.memory_space<hbm>>) dst(%dma_wait3A_306 : memref<128x8xf32, #tpu.memory_space<vmem>>)
    %dma_wait3A_312 = arith.constant 256 : i32
    %dma_wait3A_313 = arith.constant 0 : i32
    %dma_wait3A_314 = tpu.memref_slice %arg25[%dma_wait3A_312, %dma_wait3A_313] : memref<512x8xf32, #tpu.memory_space<vmem>> -> memref<128x8xf32, #tpu.memory_space<vmem>>
    %dma_wait3A_315 = arith.constant 256 : i32
    %dma_wait3A_316 = tpu.memref_slice %arg20[%dma_wait3A_315] : memref<512xi32, #tpu.memory_space<vmem>> -> memref<128xi32, #tpu.memory_space<vmem>>
    %dma_wait3A_317 = arith.constant 0 : i32
    %dma_wait3A_318 = arith.constant 0 : i32
    %dma_wait3A_319 = tpu.memref_slice %arg4[%dma_wait3A_317, %dma_wait3A_318] : memref<2500000x8xf32, #tpu.memory_space<hbm>> -> memref<2500000x8xf32, #tpu.memory_space<hbm>>
    tpu.wait_indirect_dma semaphore(%arg31 : memref<!tpu.dma_semaphore, #tpu.memory_space<semaphore_mem>>) src(%dma_wait3A_319 : memref<2500000x8xf32, #tpu.memory_space<hbm>>) dst(%dma_wait3A_314 : memref<128x8xf32, #tpu.memory_space<vmem>>)
    %dma_wait3A_320 = arith.constant 256 : i32
    %dma_wait3A_321 = arith.constant 0 : i32
    %dma_wait3A_322 = tpu.memref_slice %arg26[%dma_wait3A_320, %dma_wait3A_321] : memref<512x8xf32, #tpu.memory_space<vmem>> -> memref<128x8xf32, #tpu.memory_space<vmem>>
    %dma_wait3A_323 = arith.constant 256 : i32
    %dma_wait3A_324 = tpu.memref_slice %arg21[%dma_wait3A_323] : memref<512xi32, #tpu.memory_space<vmem>> -> memref<128xi32, #tpu.memory_space<vmem>>
    %dma_wait3A_325 = arith.constant 0 : i32
    %dma_wait3A_326 = arith.constant 0 : i32
    %dma_wait3A_327 = tpu.memref_slice %arg4[%dma_wait3A_325, %dma_wait3A_326] : memref<2500000x8xf32, #tpu.memory_space<hbm>> -> memref<2500000x8xf32, #tpu.memory_space<hbm>>
    tpu.wait_indirect_dma semaphore(%arg31 : memref<!tpu.dma_semaphore, #tpu.memory_space<semaphore_mem>>) src(%dma_wait3A_327 : memref<2500000x8xf32, #tpu.memory_space<hbm>>) dst(%dma_wait3A_322 : memref<128x8xf32, #tpu.memory_space<vmem>>)
    %dma_wait3A_328 = arith.constant 384 : i32
    %dma_wait3A_329 = arith.constant 0 : i32
    %dma_wait3A_330 = tpu.memref_slice %arg24[%dma_wait3A_328, %dma_wait3A_329] : memref<512x8xf32, #tpu.memory_space<vmem>> -> memref<128x8xf32, #tpu.memory_space<vmem>>
    %dma_wait3A_331 = arith.constant 384 : i32
    %dma_wait3A_332 = tpu.memref_slice %arg19[%dma_wait3A_331] : memref<512xi32, #tpu.memory_space<vmem>> -> memref<128xi32, #tpu.memory_space<vmem>>
    %dma_wait3A_333 = arith.constant 0 : i32
    %dma_wait3A_334 = arith.constant 0 : i32
    %dma_wait3A_335 = tpu.memref_slice %arg4[%dma_wait3A_333, %dma_wait3A_334] : memref<2500000x8xf32, #tpu.memory_space<hbm>> -> memref<2500000x8xf32, #tpu.memory_space<hbm>>
    tpu.wait_indirect_dma semaphore(%arg31 : memref<!tpu.dma_semaphore, #tpu.memory_space<semaphore_mem>>) src(%dma_wait3A_335 : memref<2500000x8xf32, #tpu.memory_space<hbm>>) dst(%dma_wait3A_330 : memref<128x8xf32, #tpu.memory_space<vmem>>)
    %dma_wait3A_336 = arith.constant 384 : i32
    %dma_wait3A_337 = arith.constant 0 : i32
    %dma_wait3A_338 = tpu.memref_slice %arg25[%dma_wait3A_336, %dma_wait3A_337] : memref<512x8xf32, #tpu.memory_space<vmem>> -> memref<128x8xf32, #tpu.memory_space<vmem>>
    %dma_wait3A_339 = arith.constant 384 : i32
    %dma_wait3A_340 = tpu.memref_slice %arg20[%dma_wait3A_339] : memref<512xi32, #tpu.memory_space<vmem>> -> memref<128xi32, #tpu.memory_space<vmem>>
    %dma_wait3A_341 = arith.constant 0 : i32
    %dma_wait3A_342 = arith.constant 0 : i32
    %dma_wait3A_343 = tpu.memref_slice %arg4[%dma_wait3A_341, %dma_wait3A_342] : memref<2500000x8xf32, #tpu.memory_space<hbm>> -> memref<2500000x8xf32, #tpu.memory_space<hbm>>
    tpu.wait_indirect_dma semaphore(%arg31 : memref<!tpu.dma_semaphore, #tpu.memory_space<semaphore_mem>>) src(%dma_wait3A_343 : memref<2500000x8xf32, #tpu.memory_space<hbm>>) dst(%dma_wait3A_338 : memref<128x8xf32, #tpu.memory_space<vmem>>)
    %dma_wait3A_344 = arith.constant 384 : i32
    %dma_wait3A_345 = arith.constant 0 : i32
    %dma_wait3A_346 = tpu.memref_slice %arg26[%dma_wait3A_344, %dma_wait3A_345] : memref<512x8xf32, #tpu.memory_space<vmem>> -> memref<128x8xf32, #tpu.memory_space<vmem>>
    %dma_wait3A_347 = arith.constant 384 : i32
    %dma_wait3A_348 = tpu.memref_slice %arg21[%dma_wait3A_347] : memref<512xi32, #tpu.memory_space<vmem>> -> memref<128xi32, #tpu.memory_space<vmem>>
    %dma_wait3A_349 = arith.constant 0 : i32
    %dma_wait3A_350 = arith.constant 0 : i32
    %dma_wait3A_351 = tpu.memref_slice %arg4[%dma_wait3A_349, %dma_wait3A_350] : memref<2500000x8xf32, #tpu.memory_space<hbm>> -> memref<2500000x8xf32, #tpu.memory_space<hbm>>
    tpu.wait_indirect_dma semaphore(%arg31 : memref<!tpu.dma_semaphore, #tpu.memory_space<semaphore_mem>>) src(%dma_wait3A_351 : memref<2500000x8xf32, #tpu.memory_space<hbm>>) dst(%dma_wait3A_346 : memref<128x8xf32, #tpu.memory_space<vmem>>)
    "tpu.region"() ({
      %run_scoped3A = tpu.sem_alloc : memref<!tpu.dma_semaphore, #tpu.memory_space<semaphore_mem>>
      %dma_start3A_448 = arith.constant 0 : i32
      %dma_start3A_449 = tpu.memref_slice %arg9[%mul3A_2, %dma_start3A_448] : memref<16384x8xf32, #tpu.memory_space<hbm>> -> memref<512x8xf32, #tpu.memory_space<hbm>>
      %dma_start3A_450 = arith.constant 0 : i32
      %dma_start3A_451 = tpu.memref_slice %arg9[%mul3A_2, %dma_start3A_450] : memref<16384x8xf32, #tpu.memory_space<hbm>> -> memref<512x8xf32, #tpu.memory_space<hbm>>
      tpu.enqueue_dma source(%arg24 : memref<512x8xf32, #tpu.memory_space<vmem>>) target(%dma_start3A_451 : memref<512x8xf32, #tpu.memory_space<hbm>>) target_semaphore(%run_scoped3A : memref<!tpu.dma_semaphore, #tpu.memory_space<semaphore_mem>>)
      %dma_wait3A_452 = arith.constant 0 : i32
      %dma_wait3A_453 = tpu.memref_slice %arg9[%mul3A_2, %dma_wait3A_452] : memref<16384x8xf32, #tpu.memory_space<hbm>> -> memref<512x8xf32, #tpu.memory_space<hbm>>
      %dma_wait3A_454 = arith.constant 0 : i32
      %dma_wait3A_455 = tpu.memref_slice %arg9[%mul3A_2, %dma_wait3A_454] : memref<16384x8xf32, #tpu.memory_space<hbm>> -> memref<512x8xf32, #tpu.memory_space<hbm>>
      tpu.wait_dma2 semaphore(%run_scoped3A : memref<!tpu.dma_semaphore, #tpu.memory_space<semaphore_mem>>) src(%arg24 : memref<512x8xf32, #tpu.memory_space<vmem>>) dst(%dma_wait3A_455 : memref<512x8xf32, #tpu.memory_space<hbm>>)
      tpu.yield
    }) : () -> ()
    "tpu.region"() ({
      %run_scoped3A = tpu.sem_alloc : memref<!tpu.dma_semaphore, #tpu.memory_space<semaphore_mem>>
      %dma_start3A_448 = arith.constant 0 : i32
      %dma_start3A_449 = tpu.memref_slice %arg10[%mul3A_2, %dma_start3A_448] : memref<16384x8xf32, #tpu.memory_space<hbm>> -> memref<512x8xf32, #tpu.memory_space<hbm>>
      %dma_start3A_450 = arith.constant 0 : i32
      %dma_start3A_451 = tpu.memref_slice %arg10[%mul3A_2, %dma_start3A_450] : memref<16384x8xf32, #tpu.memory_space<hbm>> -> memref<512x8xf32, #tpu.memory_space<hbm>>
      tpu.enqueue_dma source(%arg25 : memref<512x8xf32, #tpu.memory_space<vmem>>) target(%dma_start3A_451 : memref<512x8xf32, #tpu.memory_space<hbm>>) target_semaphore(%run_scoped3A : memref<!tpu.dma_semaphore, #tpu.memory_space<semaphore_mem>>)
      %dma_wait3A_452 = arith.constant 0 : i32
      %dma_wait3A_453 = tpu.memref_slice %arg10[%mul3A_2, %dma_wait3A_452] : memref<16384x8xf32, #tpu.memory_space<hbm>> -> memref<512x8xf32, #tpu.memory_space<hbm>>
      %dma_wait3A_454 = arith.constant 0 : i32
      %dma_wait3A_455 = tpu.memref_slice %arg10[%mul3A_2, %dma_wait3A_454] : memref<16384x8xf32, #tpu.memory_space<hbm>> -> memref<512x8xf32, #tpu.memory_space<hbm>>
      tpu.wait_dma2 semaphore(%run_scoped3A : memref<!tpu.dma_semaphore, #tpu.memory_space<semaphore_mem>>) src(%arg25 : memref<512x8xf32, #tpu.memory_space<vmem>>) dst(%dma_wait3A_455 : memref<512x8xf32, #tpu.memory_space<hbm>>)
      tpu.yield
    }) : () -> ()
    "tpu.region"() ({
      %run_scoped3A = tpu.sem_alloc : memref<!tpu.dma_semaphore, #tpu.memory_space<semaphore_mem>>
      %dma_start3A_448 = arith.constant 0 : i32
      %dma_start3A_449 = tpu.memref_slice %arg11[%mul3A_2, %dma_start3A_448] : memref<16384x8xf32, #tpu.memory_space<hbm>> -> memref<512x8xf32, #tpu.memory_space<hbm>>
      %dma_start3A_450 = arith.constant 0 : i32
      %dma_start3A_451 = tpu.memref_slice %arg11[%mul3A_2, %dma_start3A_450] : memref<16384x8xf32, #tpu.memory_space<hbm>> -> memref<512x8xf32, #tpu.memory_space<hbm>>
      tpu.enqueue_dma source(%arg26 : memref<512x8xf32, #tpu.memory_space<vmem>>) target(%dma_start3A_451 : memref<512x8xf32, #tpu.memory_space<hbm>>) target_semaphore(%run_scoped3A : memref<!tpu.dma_semaphore, #tpu.memory_space<semaphore_mem>>)
      %dma_wait3A_452 = arith.constant 0 : i32
      %dma_wait3A_453 = tpu.memref_slice %arg11[%mul3A_2, %dma_wait3A_452] : memref<16384x8xf32, #tpu.memory_space<hbm>> -> memref<512x8xf32, #tpu.memory_space<hbm>>
      %dma_wait3A_454 = arith.constant 0 : i32
      %dma_wait3A_455 = tpu.memref_slice %arg11[%mul3A_2, %dma_wait3A_454] : memref<16384x8xf32, #tpu.memory_space<hbm>> -> memref<512x8xf32, #tpu.memory_space<hbm>>
      tpu.wait_dma2 semaphore(%run_scoped3A : memref<!tpu.dma_semaphore, #tpu.memory_space<semaphore_mem>>) src(%arg26 : memref<512x8xf32, #tpu.memory_space<vmem>>) dst(%dma_wait3A_455 : memref<512x8xf32, #tpu.memory_space<hbm>>)
      tpu.yield
    }) : () -> ()
    %dma_wait3A_352 = arith.constant 0 : i32
    %dma_wait3A_353 = arith.constant 0 : i32
    %dma_wait3A_354 = tpu.memref_slice %arg27[%dma_wait3A_352, %dma_wait3A_353] : memref<512x8xf32, #tpu.memory_space<vmem>> -> memref<128x8xf32, #tpu.memory_space<vmem>>
    %dma_wait3A_355 = arith.constant 0 : i32
    %dma_wait3A_356 = tpu.memref_slice %arg22[%dma_wait3A_355] : memref<512xi32, #tpu.memory_space<vmem>> -> memref<128xi32, #tpu.memory_space<vmem>>
    %dma_wait3A_357 = arith.constant 0 : i32
    %dma_wait3A_358 = arith.constant 0 : i32
    %dma_wait3A_359 = tpu.memref_slice %arg5[%dma_wait3A_357, %dma_wait3A_358] : memref<625000x8xf32, #tpu.memory_space<hbm>> -> memref<625000x8xf32, #tpu.memory_space<hbm>>
    tpu.wait_indirect_dma semaphore(%arg32 : memref<!tpu.dma_semaphore, #tpu.memory_space<semaphore_mem>>) src(%dma_wait3A_359 : memref<625000x8xf32, #tpu.memory_space<hbm>>) dst(%dma_wait3A_354 : memref<128x8xf32, #tpu.memory_space<vmem>>)
    %dma_wait3A_360 = arith.constant 0 : i32
    %dma_wait3A_361 = arith.constant 0 : i32
    %dma_wait3A_362 = tpu.memref_slice %arg28[%dma_wait3A_360, %dma_wait3A_361] : memref<512x8xf32, #tpu.memory_space<vmem>> -> memref<128x8xf32, #tpu.memory_space<vmem>>
    %dma_wait3A_363 = arith.constant 0 : i32
    %dma_wait3A_364 = tpu.memref_slice %arg23[%dma_wait3A_363] : memref<512xi32, #tpu.memory_space<vmem>> -> memref<128xi32, #tpu.memory_space<vmem>>
    %dma_wait3A_365 = arith.constant 0 : i32
    %dma_wait3A_366 = arith.constant 0 : i32
    %dma_wait3A_367 = tpu.memref_slice %arg5[%dma_wait3A_365, %dma_wait3A_366] : memref<625000x8xf32, #tpu.memory_space<hbm>> -> memref<625000x8xf32, #tpu.memory_space<hbm>>
    tpu.wait_indirect_dma semaphore(%arg32 : memref<!tpu.dma_semaphore, #tpu.memory_space<semaphore_mem>>) src(%dma_wait3A_367 : memref<625000x8xf32, #tpu.memory_space<hbm>>) dst(%dma_wait3A_362 : memref<128x8xf32, #tpu.memory_space<vmem>>)
    %dma_wait3A_368 = arith.constant 128 : i32
    %dma_wait3A_369 = arith.constant 0 : i32
    %dma_wait3A_370 = tpu.memref_slice %arg27[%dma_wait3A_368, %dma_wait3A_369] : memref<512x8xf32, #tpu.memory_space<vmem>> -> memref<128x8xf32, #tpu.memory_space<vmem>>
    %dma_wait3A_371 = arith.constant 128 : i32
    %dma_wait3A_372 = tpu.memref_slice %arg22[%dma_wait3A_371] : memref<512xi32, #tpu.memory_space<vmem>> -> memref<128xi32, #tpu.memory_space<vmem>>
    %dma_wait3A_373 = arith.constant 0 : i32
    %dma_wait3A_374 = arith.constant 0 : i32
    %dma_wait3A_375 = tpu.memref_slice %arg5[%dma_wait3A_373, %dma_wait3A_374] : memref<625000x8xf32, #tpu.memory_space<hbm>> -> memref<625000x8xf32, #tpu.memory_space<hbm>>
    tpu.wait_indirect_dma semaphore(%arg32 : memref<!tpu.dma_semaphore, #tpu.memory_space<semaphore_mem>>) src(%dma_wait3A_375 : memref<625000x8xf32, #tpu.memory_space<hbm>>) dst(%dma_wait3A_370 : memref<128x8xf32, #tpu.memory_space<vmem>>)
    %dma_wait3A_376 = arith.constant 128 : i32
    %dma_wait3A_377 = arith.constant 0 : i32
    %dma_wait3A_378 = tpu.memref_slice %arg28[%dma_wait3A_376, %dma_wait3A_377] : memref<512x8xf32, #tpu.memory_space<vmem>> -> memref<128x8xf32, #tpu.memory_space<vmem>>
    %dma_wait3A_379 = arith.constant 128 : i32
    %dma_wait3A_380 = tpu.memref_slice %arg23[%dma_wait3A_379] : memref<512xi32, #tpu.memory_space<vmem>> -> memref<128xi32, #tpu.memory_space<vmem>>
    %dma_wait3A_381 = arith.constant 0 : i32
    %dma_wait3A_382 = arith.constant 0 : i32
    %dma_wait3A_383 = tpu.memref_slice %arg5[%dma_wait3A_381, %dma_wait3A_382] : memref<625000x8xf32, #tpu.memory_space<hbm>> -> memref<625000x8xf32, #tpu.memory_space<hbm>>
    tpu.wait_indirect_dma semaphore(%arg32 : memref<!tpu.dma_semaphore, #tpu.memory_space<semaphore_mem>>) src(%dma_wait3A_383 : memref<625000x8xf32, #tpu.memory_space<hbm>>) dst(%dma_wait3A_378 : memref<128x8xf32, #tpu.memory_space<vmem>>)
    %dma_wait3A_384 = arith.constant 256 : i32
    %dma_wait3A_385 = arith.constant 0 : i32
    %dma_wait3A_386 = tpu.memref_slice %arg27[%dma_wait3A_384, %dma_wait3A_385] : memref<512x8xf32, #tpu.memory_space<vmem>> -> memref<128x8xf32, #tpu.memory_space<vmem>>
    %dma_wait3A_387 = arith.constant 256 : i32
    %dma_wait3A_388 = tpu.memref_slice %arg22[%dma_wait3A_387] : memref<512xi32, #tpu.memory_space<vmem>> -> memref<128xi32, #tpu.memory_space<vmem>>
    %dma_wait3A_389 = arith.constant 0 : i32
    %dma_wait3A_390 = arith.constant 0 : i32
    %dma_wait3A_391 = tpu.memref_slice %arg5[%dma_wait3A_389, %dma_wait3A_390] : memref<625000x8xf32, #tpu.memory_space<hbm>> -> memref<625000x8xf32, #tpu.memory_space<hbm>>
    tpu.wait_indirect_dma semaphore(%arg32 : memref<!tpu.dma_semaphore, #tpu.memory_space<semaphore_mem>>) src(%dma_wait3A_391 : memref<625000x8xf32, #tpu.memory_space<hbm>>) dst(%dma_wait3A_386 : memref<128x8xf32, #tpu.memory_space<vmem>>)
    %dma_wait3A_392 = arith.constant 256 : i32
    %dma_wait3A_393 = arith.constant 0 : i32
    %dma_wait3A_394 = tpu.memref_slice %arg28[%dma_wait3A_392, %dma_wait3A_393] : memref<512x8xf32, #tpu.memory_space<vmem>> -> memref<128x8xf32, #tpu.memory_space<vmem>>
    %dma_wait3A_395 = arith.constant 256 : i32
    %dma_wait3A_396 = tpu.memref_slice %arg23[%dma_wait3A_395] : memref<512xi32, #tpu.memory_space<vmem>> -> memref<128xi32, #tpu.memory_space<vmem>>
    %dma_wait3A_397 = arith.constant 0 : i32
    %dma_wait3A_398 = arith.constant 0 : i32
    %dma_wait3A_399 = tpu.memref_slice %arg5[%dma_wait3A_397, %dma_wait3A_398] : memref<625000x8xf32, #tpu.memory_space<hbm>> -> memref<625000x8xf32, #tpu.memory_space<hbm>>
    tpu.wait_indirect_dma semaphore(%arg32 : memref<!tpu.dma_semaphore, #tpu.memory_space<semaphore_mem>>) src(%dma_wait3A_399 : memref<625000x8xf32, #tpu.memory_space<hbm>>) dst(%dma_wait3A_394 : memref<128x8xf32, #tpu.memory_space<vmem>>)
    %dma_wait3A_400 = arith.constant 384 : i32
    %dma_wait3A_401 = arith.constant 0 : i32
    %dma_wait3A_402 = tpu.memref_slice %arg27[%dma_wait3A_400, %dma_wait3A_401] : memref<512x8xf32, #tpu.memory_space<vmem>> -> memref<128x8xf32, #tpu.memory_space<vmem>>
    %dma_wait3A_403 = arith.constant 384 : i32
    %dma_wait3A_404 = tpu.memref_slice %arg22[%dma_wait3A_403] : memref<512xi32, #tpu.memory_space<vmem>> -> memref<128xi32, #tpu.memory_space<vmem>>
    %dma_wait3A_405 = arith.constant 0 : i32
    %dma_wait3A_406 = arith.constant 0 : i32
    %dma_wait3A_407 = tpu.memref_slice %arg5[%dma_wait3A_405, %dma_wait3A_406] : memref<625000x8xf32, #tpu.memory_space<hbm>> -> memref<625000x8xf32, #tpu.memory_space<hbm>>
    tpu.wait_indirect_dma semaphore(%arg32 : memref<!tpu.dma_semaphore, #tpu.memory_space<semaphore_mem>>) src(%dma_wait3A_407 : memref<625000x8xf32, #tpu.memory_space<hbm>>) dst(%dma_wait3A_402 : memref<128x8xf32, #tpu.memory_space<vmem>>)
    %dma_wait3A_408 = arith.constant 384 : i32
    %dma_wait3A_409 = arith.constant 0 : i32
    %dma_wait3A_410 = tpu.memref_slice %arg28[%dma_wait3A_408, %dma_wait3A_409] : memref<512x8xf32, #tpu.memory_space<vmem>> -> memref<128x8xf32, #tpu.memory_space<vmem>>
    %dma_wait3A_411 = arith.constant 384 : i32
    %dma_wait3A_412 = tpu.memref_slice %arg23[%dma_wait3A_411] : memref<512xi32, #tpu.memory_space<vmem>> -> memref<128xi32, #tpu.memory_space<vmem>>
    %dma_wait3A_413 = arith.constant 0 : i32
    %dma_wait3A_414 = arith.constant 0 : i32
    %dma_wait3A_415 = tpu.memref_slice %arg5[%dma_wait3A_413, %dma_wait3A_414] : memref<625000x8xf32, #tpu.memory_space<hbm>> -> memref<625000x8xf32, #tpu.memory_space<hbm>>
    tpu.wait_indirect_dma semaphore(%arg32 : memref<!tpu.dma_semaphore, #tpu.memory_space<semaphore_mem>>) src(%dma_wait3A_415 : memref<625000x8xf32, #tpu.memory_space<hbm>>) dst(%dma_wait3A_410 : memref<128x8xf32, #tpu.memory_space<vmem>>)
    "tpu.region"() ({
      %run_scoped3A = tpu.sem_alloc : memref<!tpu.dma_semaphore, #tpu.memory_space<semaphore_mem>>
      %dma_start3A_448 = arith.constant 0 : i32
      %dma_start3A_449 = tpu.memref_slice %arg12[%mul3A_2, %dma_start3A_448] : memref<16384x8xf32, #tpu.memory_space<hbm>> -> memref<512x8xf32, #tpu.memory_space<hbm>>
      %dma_start3A_450 = arith.constant 0 : i32
      %dma_start3A_451 = tpu.memref_slice %arg12[%mul3A_2, %dma_start3A_450] : memref<16384x8xf32, #tpu.memory_space<hbm>> -> memref<512x8xf32, #tpu.memory_space<hbm>>
      tpu.enqueue_dma source(%arg27 : memref<512x8xf32, #tpu.memory_space<vmem>>) target(%dma_start3A_451 : memref<512x8xf32, #tpu.memory_space<hbm>>) target_semaphore(%run_scoped3A : memref<!tpu.dma_semaphore, #tpu.memory_space<semaphore_mem>>)
      %dma_wait3A_452 = arith.constant 0 : i32
      %dma_wait3A_453 = tpu.memref_slice %arg12[%mul3A_2, %dma_wait3A_452] : memref<16384x8xf32, #tpu.memory_space<hbm>> -> memref<512x8xf32, #tpu.memory_space<hbm>>
      %dma_wait3A_454 = arith.constant 0 : i32
      %dma_wait3A_455 = tpu.memref_slice %arg12[%mul3A_2, %dma_wait3A_454] : memref<16384x8xf32, #tpu.memory_space<hbm>> -> memref<512x8xf32, #tpu.memory_space<hbm>>
      tpu.wait_dma2 semaphore(%run_scoped3A : memref<!tpu.dma_semaphore, #tpu.memory_space<semaphore_mem>>) src(%arg27 : memref<512x8xf32, #tpu.memory_space<vmem>>) dst(%dma_wait3A_455 : memref<512x8xf32, #tpu.memory_space<hbm>>)
      tpu.yield
    }) : () -> ()
    "tpu.region"() ({
      %run_scoped3A = tpu.sem_alloc : memref<!tpu.dma_semaphore, #tpu.memory_space<semaphore_mem>>
      %dma_start3A_448 = arith.constant 0 : i32
      %dma_start3A_449 = tpu.memref_slice %arg13[%mul3A_2, %dma_start3A_448] : memref<16384x8xf32, #tpu.memory_space<hbm>> -> memref<512x8xf32, #tpu.memory_space<hbm>>
      %dma_start3A_450 = arith.constant 0 : i32
      %dma_start3A_451 = tpu.memref_slice %arg13[%mul3A_2, %dma_start3A_450] : memref<16384x8xf32, #tpu.memory_space<hbm>> -> memref<512x8xf32, #tpu.memory_space<hbm>>
      tpu.enqueue_dma source(%arg28 : memref<512x8xf32, #tpu.memory_space<vmem>>) target(%dma_start3A_451 : memref<512x8xf32, #tpu.memory_space<hbm>>) target_semaphore(%run_scoped3A : memref<!tpu.dma_semaphore, #tpu.memory_space<semaphore_mem>>)
      %dma_wait3A_452 = arith.constant 0 : i32
      %dma_wait3A_453 = tpu.memref_slice %arg13[%mul3A_2, %dma_wait3A_452] : memref<16384x8xf32, #tpu.memory_space<hbm>> -> memref<512x8xf32, #tpu.memory_space<hbm>>
      %dma_wait3A_454 = arith.constant 0 : i32
      %dma_wait3A_455 = tpu.memref_slice %arg13[%mul3A_2, %dma_wait3A_454] : memref<16384x8xf32, #tpu.memory_space<hbm>> -> memref<512x8xf32, #tpu.memory_space<hbm>>
      tpu.wait_dma2 semaphore(%run_scoped3A : memref<!tpu.dma_semaphore, #tpu.memory_space<semaphore_mem>>) src(%arg28 : memref<512x8xf32, #tpu.memory_space<vmem>>) dst(%dma_wait3A_455 : memref<512x8xf32, #tpu.memory_space<hbm>>)
      tpu.yield
    }) : () -> ()
    %dma_wait3A_416 = arith.constant 0 : i32
    %dma_wait3A_417 = arith.constant 0 : i32
    %dma_wait3A_418 = tpu.memref_slice %arg29[%dma_wait3A_416, %dma_wait3A_417] : memref<512x8xf32, #tpu.memory_space<vmem>> -> memref<128x8xf32, #tpu.memory_space<vmem>>
    %dma_wait3A_419 = arith.constant 0 : i32
    %dma_wait3A_420 = tpu.memref_slice %arg18[%dma_wait3A_419] : memref<512xi32, #tpu.memory_space<vmem>> -> memref<128xi32, #tpu.memory_space<vmem>>
    %dma_wait3A_421 = arith.constant 0 : i32
    %dma_wait3A_422 = arith.constant 0 : i32
    %dma_wait3A_423 = tpu.memref_slice %arg6[%dma_wait3A_421, %dma_wait3A_422] : memref<16384x8xf32, #tpu.memory_space<hbm>> -> memref<16384x8xf32, #tpu.memory_space<hbm>>
    tpu.wait_indirect_dma semaphore(%arg33 : memref<!tpu.dma_semaphore, #tpu.memory_space<semaphore_mem>>) src(%dma_wait3A_423 : memref<16384x8xf32, #tpu.memory_space<hbm>>) dst(%dma_wait3A_418 : memref<128x8xf32, #tpu.memory_space<vmem>>)
    %dma_wait3A_424 = arith.constant 128 : i32
    %dma_wait3A_425 = arith.constant 0 : i32
    %dma_wait3A_426 = tpu.memref_slice %arg29[%dma_wait3A_424, %dma_wait3A_425] : memref<512x8xf32, #tpu.memory_space<vmem>> -> memref<128x8xf32, #tpu.memory_space<vmem>>
    %dma_wait3A_427 = arith.constant 128 : i32
    %dma_wait3A_428 = tpu.memref_slice %arg18[%dma_wait3A_427] : memref<512xi32, #tpu.memory_space<vmem>> -> memref<128xi32, #tpu.memory_space<vmem>>
    %dma_wait3A_429 = arith.constant 0 : i32
    %dma_wait3A_430 = arith.constant 0 : i32
    %dma_wait3A_431 = tpu.memref_slice %arg6[%dma_wait3A_429, %dma_wait3A_430] : memref<16384x8xf32, #tpu.memory_space<hbm>> -> memref<16384x8xf32, #tpu.memory_space<hbm>>
    tpu.wait_indirect_dma semaphore(%arg33 : memref<!tpu.dma_semaphore, #tpu.memory_space<semaphore_mem>>) src(%dma_wait3A_431 : memref<16384x8xf32, #tpu.memory_space<hbm>>) dst(%dma_wait3A_426 : memref<128x8xf32, #tpu.memory_space<vmem>>)
    %dma_wait3A_432 = arith.constant 256 : i32
    %dma_wait3A_433 = arith.constant 0 : i32
    %dma_wait3A_434 = tpu.memref_slice %arg29[%dma_wait3A_432, %dma_wait3A_433] : memref<512x8xf32, #tpu.memory_space<vmem>> -> memref<128x8xf32, #tpu.memory_space<vmem>>
    %dma_wait3A_435 = arith.constant 256 : i32
    %dma_wait3A_436 = tpu.memref_slice %arg18[%dma_wait3A_435] : memref<512xi32, #tpu.memory_space<vmem>> -> memref<128xi32, #tpu.memory_space<vmem>>
    %dma_wait3A_437 = arith.constant 0 : i32
    %dma_wait3A_438 = arith.constant 0 : i32
    %dma_wait3A_439 = tpu.memref_slice %arg6[%dma_wait3A_437, %dma_wait3A_438] : memref<16384x8xf32, #tpu.memory_space<hbm>> -> memref<16384x8xf32, #tpu.memory_space<hbm>>
    tpu.wait_indirect_dma semaphore(%arg33 : memref<!tpu.dma_semaphore, #tpu.memory_space<semaphore_mem>>) src(%dma_wait3A_439 : memref<16384x8xf32, #tpu.memory_space<hbm>>) dst(%dma_wait3A_434 : memref<128x8xf32, #tpu.memory_space<vmem>>)
    %dma_wait3A_440 = arith.constant 384 : i32
    %dma_wait3A_441 = arith.constant 0 : i32
    %dma_wait3A_442 = tpu.memref_slice %arg29[%dma_wait3A_440, %dma_wait3A_441] : memref<512x8xf32, #tpu.memory_space<vmem>> -> memref<128x8xf32, #tpu.memory_space<vmem>>
    %dma_wait3A_443 = arith.constant 384 : i32
    %dma_wait3A_444 = tpu.memref_slice %arg18[%dma_wait3A_443] : memref<512xi32, #tpu.memory_space<vmem>> -> memref<128xi32, #tpu.memory_space<vmem>>
    %dma_wait3A_445 = arith.constant 0 : i32
    %dma_wait3A_446 = arith.constant 0 : i32
    %dma_wait3A_447 = tpu.memref_slice %arg6[%dma_wait3A_445, %dma_wait3A_446] : memref<16384x8xf32, #tpu.memory_space<hbm>> -> memref<16384x8xf32, #tpu.memory_space<hbm>>
    tpu.wait_indirect_dma semaphore(%arg33 : memref<!tpu.dma_semaphore, #tpu.memory_space<semaphore_mem>>) src(%dma_wait3A_447 : memref<16384x8xf32, #tpu.memory_space<hbm>>) dst(%dma_wait3A_442 : memref<128x8xf32, #tpu.memory_space<vmem>>)
    "tpu.region"() ({
      %run_scoped3A = tpu.sem_alloc : memref<!tpu.dma_semaphore, #tpu.memory_space<semaphore_mem>>
      %dma_start3A_448 = arith.constant 0 : i32
      %dma_start3A_449 = tpu.memref_slice %arg14[%mul3A_2, %dma_start3A_448] : memref<16384x8xf32, #tpu.memory_space<hbm>> -> memref<512x8xf32, #tpu.memory_space<hbm>>
      %dma_start3A_450 = arith.constant 0 : i32
      %dma_start3A_451 = tpu.memref_slice %arg14[%mul3A_2, %dma_start3A_450] : memref<16384x8xf32, #tpu.memory_space<hbm>> -> memref<512x8xf32, #tpu.memory_space<hbm>>
      tpu.enqueue_dma source(%arg29 : memref<512x8xf32, #tpu.memory_space<vmem>>) target(%dma_start3A_451 : memref<512x8xf32, #tpu.memory_space<hbm>>) target_semaphore(%run_scoped3A : memref<!tpu.dma_semaphore, #tpu.memory_space<semaphore_mem>>)
      %dma_wait3A_452 = arith.constant 0 : i32
      %dma_wait3A_453 = tpu.memref_slice %arg14[%mul3A_2, %dma_wait3A_452] : memref<16384x8xf32, #tpu.memory_space<hbm>> -> memref<512x8xf32, #tpu.memory_space<hbm>>
      %dma_wait3A_454 = arith.constant 0 : i32
      %dma_wait3A_455 = tpu.memref_slice %arg14[%mul3A_2, %dma_wait3A_454] : memref<16384x8xf32, #tpu.memory_space<hbm>> -> memref<512x8xf32, #tpu.memory_space<hbm>>
      tpu.wait_dma2 semaphore(%run_scoped3A : memref<!tpu.dma_semaphore, #tpu.memory_space<semaphore_mem>>) src(%arg29 : memref<512x8xf32, #tpu.memory_space<vmem>>) dst(%dma_wait3A_455 : memref<512x8xf32, #tpu.memory_space<hbm>>)
      tpu.yield
    }) : () -> ()
    return
  }
}

module attributes {stable_mosaic.version = 14 : i64} {
  func.func @_encode_body(%arg0: i32, %arg1: memref<512x8xf32, #tpu.memory_space<vmem>>, %arg2: memref<512x8xf32, #tpu.memory_space<vmem>>, %arg3: memref<512x8xf32, #tpu.memory_space<vmem>>, %arg4: memref<512x8xf32, #tpu.memory_space<vmem>>, %arg5: memref<512x8xf32, #tpu.memory_space<vmem>>, %arg6: memref<512x8xf32, #tpu.memory_space<vmem>>, %arg7: memref<1x512xi32, #tpu.memory_space<vmem>>, %arg8: memref<1x512xi32, #tpu.memory_space<vmem>>, %arg9: memref<24x640xf32, #tpu.memory_space<vmem>>, %arg10: memref<24x640xf32, #tpu.memory_space<vmem>>, %arg11: memref<4x640xf32, #tpu.memory_space<vmem>>, %arg12: memref<640x1xf32, #tpu.memory_space<vmem>>, %arg13: memref<40x16xf32, #tpu.memory_space<vmem>>, %arg14: memref<1x8xf32, #tpu.memory_space<vmem>>, %arg15: memref<645x512xf32, #tpu.memory_space<vmem>>) attributes {dimension_semantics = [#tpu.dimension_semantics<arbitrary>], iteration_bounds = array<i64: 32>, scalar_prefetch = 0 : i64, scratch_operands = 0 : i64, tpu.core_type = #tpu.core_type<tc>, window_params = [{transform_indices = @transform_0, window_bounds = array<i64: 512, 8>}, {transform_indices = @transform_1, window_bounds = array<i64: 512, 8>}, {transform_indices = @transform_2, window_bounds = array<i64: 512, 8>}, {transform_indices = @transform_3, window_bounds = array<i64: 512, 8>}, {transform_indices = @transform_4, window_bounds = array<i64: 512, 8>}, {transform_indices = @transform_5, window_bounds = array<i64: 512, 8>}, {transform_indices = @transform_6, window_bounds = array<i64: 1, 512>}, {transform_indices = @transform_7, window_bounds = array<i64: 1, 512>}, {pipeline_mode = #tpu.pipeline_mode<synchronous>, transform_indices = @transform_8, window_bounds = array<i64: 24, 640>}, {pipeline_mode = #tpu.pipeline_mode<synchronous>, transform_indices = @transform_9, window_bounds = array<i64: 24, 640>}, {pipeline_mode = #tpu.pipeline_mode<synchronous>, transform_indices = @transform_10, window_bounds = array<i64: 4, 640>}, {pipeline_mode = #tpu.pipeline_mode<synchronous>, transform_indices = @transform_11, window_bounds = array<i64: 640, 1>}, {pipeline_mode = #tpu.pipeline_mode<synchronous>, transform_indices = @transform_12, window_bounds = array<i64: 40, 16>}, {pipeline_mode = #tpu.pipeline_mode<synchronous>, transform_indices = @transform_13, window_bounds = array<i64: 1, 8>}, {transform_indices = @transform_14, window_bounds = array<i64: 645, 512>}]} {
    %get3A = arith.constant 0 : index
    %get3A_0 = arith.constant 0 : index
    %get3A_1 = vector.load %arg7[%get3A, %get3A_0] : memref<1x512xi32, #tpu.memory_space<vmem>>, vector<1x512xi32>
    %ge3A = arith.constant 0 : i32
    %ge3A_2 = vector.broadcast %ge3A : i32 to vector<1x512xi32>
    %ge3A_3 = arith.cmpi sge, %get3A_1, %ge3A_2 : vector<1x512xi32>
    %get3A_4 = arith.constant 0 : index
    %get3A_5 = arith.constant 0 : index
    %get3A_6 = vector.load %arg8[%get3A_4, %get3A_5] : memref<1x512xi32, #tpu.memory_space<vmem>>, vector<1x512xi32>
    %and3A = arith.constant 1 : i32
    %and3A_7 = vector.broadcast %and3A : i32 to vector<1x512xi32>
    %and3A_8 = arith.andi %get3A_6, %and3A_7 : vector<1x512xi32>
    %eq3A = arith.constant 1 : i32
    %eq3A_9 = vector.broadcast %eq3A : i32 to vector<1x512xi32>
    %eq3A_10 = arith.cmpi eq, %and3A_8, %eq3A_9 : vector<1x512xi32>
    %get3A_11 = arith.constant 0 : index
    %get3A_12 = arith.constant 0 : index
    %get3A_13 = vector.load %arg1[%get3A_11, %get3A_12] : memref<512x8xf32, #tpu.memory_space<vmem>>, vector<512x8xf32>
    %get3A_14 = arith.constant 0 : index
    %get3A_15 = arith.constant 0 : index
    %get3A_16 = vector.load %arg2[%get3A_14, %get3A_15] : memref<512x8xf32, #tpu.memory_space<vmem>>, vector<512x8xf32>
    %get3A_17 = arith.constant 0 : index
    %get3A_18 = arith.constant 0 : index
    %get3A_19 = vector.load %arg3[%get3A_17, %get3A_18] : memref<512x8xf32, #tpu.memory_space<vmem>>, vector<512x8xf32>
    %concatenate3A = tpu.concatenate %get3A_13, %get3A_16, %get3A_19 in 1 : vector<512x8xf32>, vector<512x8xf32>, vector<512x8xf32> -> vector<512x24xf32>
    %get3A_20 = arith.constant 0 : index
    %get3A_21 = arith.constant 0 : index
    %get3A_22 = vector.load %arg9[%get3A_20, %get3A_21] : memref<24x640xf32, #tpu.memory_space<vmem>>, vector<24x640xf32>
    %dot_general3A = arith.constant dense<0.000000e+00> : vector<640x512xf32>
    %dot_general3A_23 = tpu.matmul %get3A_22, %concatenate3A, %dot_general3A {dimension_numbers = #tpu.dot_dimension_numbers<[0], [1], [1], [0], [0, 1, 1, 0], [], []>, transpose_lhs_hint = false} : vector<24x640xf32>, vector<512x24xf32>, vector<640x512xf32> -> vector<640x512xf32>
    %get3A_24 = arith.constant 0 : index
    %get3A_25 = arith.constant 0 : index
    %get3A_26 = vector.load %arg10[%get3A_24, %get3A_25] : memref<24x640xf32, #tpu.memory_space<vmem>>, vector<24x640xf32>
    %dot_general3A_27 = arith.constant dense<0.000000e+00> : vector<640x512xf32>
    %dot_general3A_28 = tpu.matmul %get3A_26, %concatenate3A, %dot_general3A_27 {dimension_numbers = #tpu.dot_dimension_numbers<[0], [1], [1], [0], [0, 1, 1, 0], [], []>, transpose_lhs_hint = false} : vector<24x640xf32>, vector<512x24xf32>, vector<640x512xf32> -> vector<640x512xf32>
    %broadcast_in_dim3A = vector.shape_cast %eq3A_10 : vector<1x512xi1> to vector<1x512xi1>
    %broadcast_in_dim3A_29 = vector.broadcast %broadcast_in_dim3A : vector<1x512xi1> to vector<640x512xi1>
    %select_n3A = arith.select %broadcast_in_dim3A_29, %dot_general3A_28, %dot_general3A_23 : vector<640x512xi1>, vector<640x512xf32>
    %get3A_30 = arith.constant 0 : index
    %get3A_31 = arith.constant 0 : index
    %get3A_32 = vector.load %arg11[%get3A_30, %get3A_31] : memref<4x640xf32, #tpu.memory_space<vmem>>, vector<4x640xf32>
    %get3A_33 = arith.constant 0 : index
    %get3A_34 = arith.constant 0 : index
    %get3A_35 = vector.load %arg6[%get3A_33, %get3A_34] : memref<512x8xf32, #tpu.memory_space<vmem>>, vector<512x4xf32>
    %dot_general3A_36 = arith.constant dense<0.000000e+00> : vector<640x512xf32>
    %dot_general3A_37 = tpu.matmul %get3A_32, %get3A_35, %dot_general3A_36 {dimension_numbers = #tpu.dot_dimension_numbers<[0], [1], [1], [0], [0, 1, 1, 0], [], []>, transpose_lhs_hint = false} : vector<4x640xf32>, vector<512x4xf32>, vector<640x512xf32> -> vector<640x512xf32>
    %broadcast_in_dim3A_38 = vector.shape_cast %ge3A_3 : vector<1x512xi1> to vector<1x512xi1>
    %broadcast_in_dim3A_39 = vector.broadcast %broadcast_in_dim3A_38 : vector<1x512xi1> to vector<640x512xi1>
    %select_n3A_40 = arith.select %broadcast_in_dim3A_39, %dot_general3A_37, %select_n3A : vector<640x512xi1>, vector<640x512xf32>
    %get3A_41 = arith.constant 0 : index
    %get3A_42 = arith.constant 0 : index
    %get3A_43 = vector.load %arg12[%get3A_41, %get3A_42] : memref<640x1xf32, #tpu.memory_space<vmem>>, vector<640x1xf32>
    %sub3A = vector.broadcast %get3A_43 : vector<640x1xf32> to vector<640x512xf32>
    %sub3A_44 = arith.subf %select_n3A_40, %sub3A : vector<640x512xf32>
    %cos3A = math.cos %sub3A_44 : vector<640x512xf32>
    %swap3A = arith.constant 0 : index
    %swap3A_45 = arith.constant 0 : index
    %swap3A_46 = vector.load %arg15[%swap3A, %swap3A_45] : memref<645x512xf32, #tpu.memory_space<vmem>>, vector<640x512xf32>
    tpu.vector_store %arg15[%swap3A, %swap3A_45], %cos3A {strides = array<i32>} : memref<645x512xf32, #tpu.memory_space<vmem>>, vector<640x512xf32>,
    %get3A_47 = arith.constant 0 : index
    %get3A_48 = arith.constant 0 : index
    %get3A_49 = vector.load %arg4[%get3A_47, %get3A_48] : memref<512x8xf32, #tpu.memory_space<vmem>>, vector<512x8xf32>
    %get3A_50 = arith.constant 0 : index
    %get3A_51 = arith.constant 0 : index
    %get3A_52 = vector.load %arg5[%get3A_50, %get3A_51] : memref<512x8xf32, #tpu.memory_space<vmem>>, vector<512x8xf32>
    %concatenate3A_53 = tpu.concatenate %get3A_49, %get3A_52 in 1 : vector<512x8xf32>, vector<512x8xf32> -> vector<512x16xf32>
    %get3A_54 = arith.constant 0 : index
    %get3A_55 = arith.constant 0 : index
    %get3A_56 = vector.load %arg13[%get3A_54, %get3A_55] : memref<40x16xf32, #tpu.memory_space<vmem>>, vector<40x16xf32>
    %dot_general3A_57 = arith.constant dense<0.000000e+00> : vector<40x512xf32>
    %dot_general3A_58 = tpu.matmul %get3A_56, %concatenate3A_53, %dot_general3A_57 {dimension_numbers = #tpu.dot_dimension_numbers<[1], [1], [0], [0], [0, 0, 1, 0], [], []>, transpose_lhs_hint = false} : vector<40x16xf32>, vector<512x16xf32>, vector<40x512xf32> -> vector<40x512xf32>
    %mul3A = arith.constant 5 : i32
    %mul3A_59 = vector.broadcast %mul3A : i32 to vector<1x512xi32>
    %mul3A_60 = arith.muli %get3A_6, %mul3A_59 : vector<1x512xi32>
    %and3A_61 = arith.constant 7 : i32
    %and3A_62 = vector.broadcast %and3A_61 : i32 to vector<1x512xi32>
    %and3A_63 = arith.andi %mul3A_60, %and3A_62 : vector<1x512xi32>
    %broadcast_in_dim3A_64 = arith.constant 0.000000e+00 : f32
    %broadcast_in_dim3A_65 = vector.broadcast %broadcast_in_dim3A_64 : f32 to vector<5x512xf32>
    %eq3A_66 = arith.constant 0 : i32
    %eq3A_67 = vector.broadcast %eq3A_66 : i32 to vector<1x512xi32>
    %eq3A_68 = arith.cmpi eq, %and3A_63, %eq3A_67 : vector<1x512xi32>
    %slice3A = vector.extract_strided_slice %dot_general3A_58 {offsets = [0, 0], sizes = [5, 512], strides = [1, 1]} : vector<40x512xf32> to vector<5x512xf32>
    %broadcast_in_dim3A_69 = vector.shape_cast %eq3A_68 : vector<1x512xi1> to vector<1x512xi1>
    %broadcast_in_dim3A_70 = vector.broadcast %broadcast_in_dim3A_69 : vector<1x512xi1> to vector<5x512xi1>
    %select_n3A_71 = arith.select %broadcast_in_dim3A_70, %slice3A, %broadcast_in_dim3A_65 : vector<5x512xi1>, vector<5x512xf32>
    %eq3A_72 = arith.constant 1 : i32
    %eq3A_73 = vector.broadcast %eq3A_72 : i32 to vector<1x512xi32>
    %eq3A_74 = arith.cmpi eq, %and3A_63, %eq3A_73 : vector<1x512xi32>
    %slice3A_75 = vector.extract_strided_slice %dot_general3A_58 {offsets = [5, 0], sizes = [5, 512], strides = [1, 1]} : vector<40x512xf32> to vector<5x512xf32>
    %broadcast_in_dim3A_76 = vector.shape_cast %eq3A_74 : vector<1x512xi1> to vector<1x512xi1>
    %broadcast_in_dim3A_77 = vector.broadcast %broadcast_in_dim3A_76 : vector<1x512xi1> to vector<5x512xi1>
    %select_n3A_78 = arith.select %broadcast_in_dim3A_77, %slice3A_75, %select_n3A_71 : vector<5x512xi1>, vector<5x512xf32>
    %eq3A_79 = arith.constant 2 : i32
    %eq3A_80 = vector.broadcast %eq3A_79 : i32 to vector<1x512xi32>
    %eq3A_81 = arith.cmpi eq, %and3A_63, %eq3A_80 : vector<1x512xi32>
    %slice3A_82 = vector.extract_strided_slice %dot_general3A_58 {offsets = [10, 0], sizes = [5, 512], strides = [1, 1]} : vector<40x512xf32> to vector<5x512xf32>
    %broadcast_in_dim3A_83 = vector.shape_cast %eq3A_81 : vector<1x512xi1> to vector<1x512xi1>
    %broadcast_in_dim3A_84 = vector.broadcast %broadcast_in_dim3A_83 : vector<1x512xi1> to vector<5x512xi1>
    %select_n3A_85 = arith.select %broadcast_in_dim3A_84, %slice3A_82, %select_n3A_78 : vector<5x512xi1>, vector<5x512xf32>
    %eq3A_86 = arith.constant 3 : i32
    %eq3A_87 = vector.broadcast %eq3A_86 : i32 to vector<1x512xi32>
    %eq3A_88 = arith.cmpi eq, %and3A_63, %eq3A_87 : vector<1x512xi32>
    %slice3A_89 = vector.extract_strided_slice %dot_general3A_58 {offsets = [15, 0], sizes = [5, 512], strides = [1, 1]} : vector<40x512xf32> to vector<5x512xf32>
    %broadcast_in_dim3A_90 = vector.shape_cast %eq3A_88 : vector<1x512xi1> to vector<1x512xi1>
    %broadcast_in_dim3A_91 = vector.broadcast %broadcast_in_dim3A_90 : vector<1x512xi1> to vector<5x512xi1>
    %select_n3A_92 = arith.select %broadcast_in_dim3A_91, %slice3A_89, %select_n3A_85 : vector<5x512xi1>, vector<5x512xf32>
    %eq3A_93 = arith.constant 4 : i32
    %eq3A_94 = vector.broadcast %eq3A_93 : i32 to vector<1x512xi32>
    %eq3A_95 = arith.cmpi eq, %and3A_63, %eq3A_94 : vector<1x512xi32>
    %slice3A_96 = vector.extract_strided_slice %dot_general3A_58 {offsets = [20, 0], sizes = [5, 512], strides = [1, 1]} : vector<40x512xf32> to vector<5x512xf32>
    %broadcast_in_dim3A_97 = vector.shape_cast %eq3A_95 : vector<1x512xi1> to vector<1x512xi1>
    %broadcast_in_dim3A_98 = vector.broadcast %broadcast_in_dim3A_97 : vector<1x512xi1> to vector<5x512xi1>
    %select_n3A_99 = arith.select %broadcast_in_dim3A_98, %slice3A_96, %select_n3A_92 : vector<5x512xi1>, vector<5x512xf32>
    %eq3A_100 = arith.constant 5 : i32
    %eq3A_101 = vector.broadcast %eq3A_100 : i32 to vector<1x512xi32>
    %eq3A_102 = arith.cmpi eq, %and3A_63, %eq3A_101 : vector<1x512xi32>
    %slice3A_103 = vector.extract_strided_slice %dot_general3A_58 {offsets = [25, 0], sizes = [5, 512], strides = [1, 1]} : vector<40x512xf32> to vector<5x512xf32>
    %broadcast_in_dim3A_104 = vector.shape_cast %eq3A_102 : vector<1x512xi1> to vector<1x512xi1>
    %broadcast_in_dim3A_105 = vector.broadcast %broadcast_in_dim3A_104 : vector<1x512xi1> to vector<5x512xi1>
    %select_n3A_106 = arith.select %broadcast_in_dim3A_105, %slice3A_103, %select_n3A_99 : vector<5x512xi1>, vector<5x512xf32>
    %eq3A_107 = arith.constant 6 : i32
    %eq3A_108 = vector.broadcast %eq3A_107 : i32 to vector<1x512xi32>
    %eq3A_109 = arith.cmpi eq, %and3A_63, %eq3A_108 : vector<1x512xi32>
    %slice3A_110 = vector.extract_strided_slice %dot_general3A_58 {offsets = [30, 0], sizes = [5, 512], strides = [1, 1]} : vector<40x512xf32> to vector<5x512xf32>
    %broadcast_in_dim3A_111 = vector.shape_cast %eq3A_109 : vector<1x512xi1> to vector<1x512xi1>
    %broadcast_in_dim3A_112 = vector.broadcast %broadcast_in_dim3A_111 : vector<1x512xi1> to vector<5x512xi1>
    %select_n3A_113 = arith.select %broadcast_in_dim3A_112, %slice3A_110, %select_n3A_106 : vector<5x512xi1>, vector<5x512xf32>
    %eq3A_114 = arith.constant 7 : i32
    %eq3A_115 = vector.broadcast %eq3A_114 : i32 to vector<1x512xi32>
    %eq3A_116 = arith.cmpi eq, %and3A_63, %eq3A_115 : vector<1x512xi32>
    %slice3A_117 = vector.extract_strided_slice %dot_general3A_58 {offsets = [35, 0], sizes = [5, 512], strides = [1, 1]} : vector<40x512xf32> to vector<5x512xf32>
    %broadcast_in_dim3A_118 = vector.shape_cast %eq3A_116 : vector<1x512xi1> to vector<1x512xi1>
    %broadcast_in_dim3A_119 = vector.broadcast %broadcast_in_dim3A_118 : vector<1x512xi1> to vector<5x512xi1>
    %select_n3A_120 = arith.select %broadcast_in_dim3A_119, %slice3A_117, %select_n3A_113 : vector<5x512xi1>, vector<5x512xf32>
    %get3A_121 = arith.constant 0 : index
    %get3A_122 = arith.constant 0 : index
    %get3A_123 = vector.load %arg14[%get3A_121, %get3A_122] : memref<1x8xf32, #tpu.memory_space<vmem>>, vector<1x8xf32>
    %get3A_124 = arith.constant 0 : index
    %get3A_125 = arith.constant 0 : index
    %get3A_126 = vector.load %arg6[%get3A_124, %get3A_125] : memref<512x8xf32, #tpu.memory_space<vmem>>, vector<512x8xf32>
    %dot_general3A_127 = arith.constant dense<0.000000e+00> : vector<1x512xf32>
    %dot_general3A_128 = tpu.matmul %get3A_123, %get3A_126, %dot_general3A_127 {dimension_numbers = #tpu.dot_dimension_numbers<[1], [1], [0], [0], [0, 0, 1, 0], [], []>, transpose_lhs_hint = false} : vector<1x8xf32>, vector<512x8xf32>, vector<1x512xf32> -> vector<1x512xf32>
    %broadcast_in_dim3A_129 = vector.shape_cast %dot_general3A_128 : vector<1x512xf32> to vector<1x512xf32>
    %broadcast_in_dim3A_130 = vector.broadcast %broadcast_in_dim3A_129 : vector<1x512xf32> to vector<5x512xf32>
    %broadcast_in_dim3A_131 = vector.shape_cast %ge3A_3 : vector<1x512xi1> to vector<1x512xi1>
    %broadcast_in_dim3A_132 = vector.broadcast %broadcast_in_dim3A_131 : vector<1x512xi1> to vector<5x512xi1>
    %select_n3A_133 = arith.select %broadcast_in_dim3A_132, %broadcast_in_dim3A_130, %select_n3A_120 : vector<5x512xi1>, vector<5x512xf32>
    %swap3A_134 = arith.constant 640 : index
    %swap3A_135 = arith.constant 0 : index
    %swap3A_136 = vector.load %arg15[%swap3A_134, %swap3A_135] : memref<645x512xf32, #tpu.memory_space<vmem>>, vector<5x512xf32>
    tpu.vector_store %arg15[%swap3A_134, %swap3A_135], %select_n3A_133 {strides = array<i32>} : memref<645x512xf32, #tpu.memory_space<vmem>>, vector<5x512xf32>,
    return
  }
  func.func @transform_0(%arg0: i32) -> (i32, i32) {
    %c0_i32 = arith.constant 0 : i32
    %c0_i32_0 = arith.constant 0 : i32
    return %arg0, %c0_i32 : i32, i32
  }
  func.func @transform_1(%arg0: i32) -> (i32, i32) {
    %c0_i32 = arith.constant 0 : i32
    %c0_i32_0 = arith.constant 0 : i32
    return %arg0, %c0_i32 : i32, i32
  }
  func.func @transform_2(%arg0: i32) -> (i32, i32) {
    %c0_i32 = arith.constant 0 : i32
    %c0_i32_0 = arith.constant 0 : i32
    return %arg0, %c0_i32 : i32, i32
  }
  func.func @transform_3(%arg0: i32) -> (i32, i32) {
    %c0_i32 = arith.constant 0 : i32
    %c0_i32_0 = arith.constant 0 : i32
    return %arg0, %c0_i32 : i32, i32
  }
  func.func @transform_4(%arg0: i32) -> (i32, i32) {
    %c0_i32 = arith.constant 0 : i32
    %c0_i32_0 = arith.constant 0 : i32
    return %arg0, %c0_i32 : i32, i32
  }
  func.func @transform_5(%arg0: i32) -> (i32, i32) {
    %c0_i32 = arith.constant 0 : i32
    %c0_i32_0 = arith.constant 0 : i32
    return %arg0, %c0_i32 : i32, i32
  }
  func.func @transform_6(%arg0: i32) -> (i32, i32) {
    %c0_i32 = arith.constant 0 : i32
    %c0_i32_0 = arith.constant 0 : i32
    return %c0_i32, %arg0 : i32, i32
  }
  func.func @transform_7(%arg0: i32) -> (i32, i32) {
    %c0_i32 = arith.constant 0 : i32
    %c0_i32_0 = arith.constant 0 : i32
    return %c0_i32, %arg0 : i32, i32
  }
  func.func @transform_8(%arg0: i32) -> (i32, i32) {
    %c0_i32 = arith.constant 0 : i32
    %c0_i32_0 = arith.constant 0 : i32
    %c0_i32_1 = arith.constant 0 : i32
    return %c0_i32, %c0_i32_0 : i32, i32
  }
  func.func @transform_9(%arg0: i32) -> (i32, i32) {
    %c0_i32 = arith.constant 0 : i32
    %c0_i32_0 = arith.constant 0 : i32
    %c0_i32_1 = arith.constant 0 : i32
    return %c0_i32, %c0_i32_0 : i32, i32
  }
  func.func @transform_10(%arg0: i32) -> (i32, i32) {
    %c0_i32 = arith.constant 0 : i32
    %c0_i32_0 = arith.constant 0 : i32
    %c0_i32_1 = arith.constant 0 : i32
    return %c0_i32, %c0_i32_0 : i32, i32
  }
  func.func @transform_11(%arg0: i32) -> (i32, i32) {
    %c0_i32 = arith.constant 0 : i32
    %c0_i32_0 = arith.constant 0 : i32
    %c0_i32_1 = arith.constant 0 : i32
    return %c0_i32, %c0_i32_0 : i32, i32
  }
  func.func @transform_12(%arg0: i32) -> (i32, i32) {
    %c0_i32 = arith.constant 0 : i32
    %c0_i32_0 = arith.constant 0 : i32
    %c0_i32_1 = arith.constant 0 : i32
    return %c0_i32, %c0_i32_0 : i32, i32
  }
  func.func @transform_13(%arg0: i32) -> (i32, i32) {
    %c0_i32 = arith.constant 0 : i32
    %c0_i32_0 = arith.constant 0 : i32
    %c0_i32_1 = arith.constant 0 : i32
    return %c0_i32, %c0_i32_0 : i32, i32
  }
  func.func @transform_14(%arg0: i32) -> (i32, i32) {
    %c0_i32 = arith.constant 0 : i32
    %c0_i32_0 = arith.constant 0 : i32
    return %c0_i32, %arg0 : i32, i32
  }
}

</mosaic_0001>

<sc_bundles>
// kernel: kernel.5.cloned.1.call-start
scs
__scs_entry_jumppad:
0x0: {  	(pc) =	sbr.rel $0x88, $3  }
0x1: {  	(tag) =	ssettag $0x0;
	lr =	simm.s32 $0x1  }
0x2: {  	[smem:$0x3F9C] =	sst lr;
	_ =	strace $0xD0000000  }
0x3: {  	_ = 	snop  }
0x4: {  	_ = 	snop  }
0x5: {  	_ = 	snop  }
0x6: {  	_ = 	snop  }
0x7: {  	_ = 	snop  }
__scs_overlays_trampoline_lowered:
0x8: {  	[smem:$0x3FAB] =	sst s0  }
0x9: {  	[smem:$0x3FAC] =	sst s1  }
0xa: {  	[smem:$0x3FAD] =	sst s2  }
0xb: {  	[smem:$0x3FAE] =	sst s3  }
0xc: {  	[smem:$0x3FAF] =	sst s4  }
0xd: {  	[smem:$0x3FB0] =	sst s5  }
0xe: {  	[smem:$0x3FB1] =	sst s6  }
0xf: {  	[smem:$0x3FB2] =	sst s7  }
0x10: {  	[smem:$0x3FB3] =	sst s8  }
0x11: {  	[smem:$0x3FB4] =	sst s9;
	s0 =	simm.s32 @!p0 $0x0  }
0x12: {  	s1 =	sld [smem:$0x3F9A];
	s0 =	simm.s32 @p0 $0x1  }
0x13: {  	[smem:$0x3FB5] =	sst s0;
	s0 =	simm.s32 @!p1 $0x0  }
0x14: {  	s2 =	sld [smem:$0x3F99];
	s0 =	simm.s32 @p1 $0x1  }
0x15: {  	[smem:$0x3FB6] =	sst s0;
	s0 =	simm.s32 @!p2 $0x0  }
0x16: {  	s3 =	sld [smem:$0x3FDB];
	s0 =	simm.s32 @p2 $0x1  }
0x17: {  	s4 =	simm.s32 $0x1BF5;
	[smem:$0x3FB8] =	sst s0  }
0x18: {  	s0 =	sld [smem:$0x3F9B];
	_ =	swait.ge [sflag:s4], $0x0  }
0x19: {  	s7 =	sld [smem:$0x3F9C]  }
0x1a: {  	s8 =	sadd.s32 $0xFFFFE003, lr  }
0x1b: {  	s9 =	sadd.s32 $0xFFFFFEF7, lr;
	s5 =	simm.s32 $0xFFFFFFFF;
	p2 =	slt.u32 s8, $0xFFFFF086  }
0x1c: {  	p1 =	slt.u32 s9, $0xF7A;
	s5 =	simm.s32 @!p2 $0x0  }
0x1d: {  	s5 =	simm.s32 @p1 $0x1;
	p0 =	seq.s32 s7, s2  }
0x1e: {  	s7 =	smul.u32 @!p0 $0xF7A, s2;
	p2 =	seq.s32 @!p0 s5, $0x0  }
0x1f: {  	s9 =	smul.u32 $0xF7A, s1;
	s8 =	simm.s32 @!p0 $0x1BF5;
	p2 =	por !p2, p0  }
0x20: {  	[sflag:s8] =	ssyncset.s32 @!p0 $0xFFFFF086;
	s6 =	sadd.s32 @!p0 s3, s7;
	s7 =	simm.s32 @!p0 $0x108  }
0x21: {  	s3 =	sadd.s32 s3, s9;
	s6 =	sadd.s32 @!p0 $0x88, s6;
	s7 =	simm.s32 @p2 $0x1082  }
0x22: {  	[simem:s7], [sflag:s8] =	dma.local @!p0 [hbm:s6], $0xF7A  }
0x23: {  	s9 =	sor.u32 $0xD0000000, s2;
	s6 =	simm.s32 $0x108;
	_ =	swait.ge @!p0 [sflag:s8], $0x0  }
0x24: {  	s3 =	sadd.s32 $0x88, s3;
	s6 =	simm.s32 @!p1 $0x1082;
	[sflag:s4] =	ssyncset.s32 $0xFFFFF086  }
0x25: {  	[simem:s6], [sflag:s4] =	dma.local [hbm:s3], $0xF7A  }
0x26: {  	[smem:$0x3F9C] =	sst s1;
	(tag) =	ssettag s2;
	_ =	strace s9  }
0x27: {  	s1 =	sld [smem:$0x3FAC]  }
0x28: {  	s2 =	sld [smem:$0x3FAD]  }
0x29: {  	s4 =	sld [smem:$0x3FAF]  }
0x2a: {  	p0 =	seq.s32 s5, $0x0;
	s5 =	sld [smem:$0x3FB0]  }
0x2b: {  	s6 =	sld [smem:$0x3FB1]  }
0x2c: {  	s7 =	sld [smem:$0x3FB2]  }
0x2d: {  	s3 =	simm.s32 $0x108;
	s8 =	sld [smem:$0x3FB3]  }
0x2e: {  	s3 =	simm.s32 @!p0 $0x1082;
	s9 =	sld [smem:$0x3FB4]  }
0x2f: {  	lr =	sadd.s32 s0, s3;
	s0 =	sld [smem:$0x3FAB]  }
0x30: {  	s3 =	sld [smem:$0x3FAE]  }
0x31: {  	[smem:$0x3FB7] =	sst s10  }
0x32: {  	s10 =	sld [smem:$0x3FB5];
	_ =	sdelay $0x3  }
0x33: {  	p0 =	seq.s32 s10, $0x1;
	s10 =	sld [smem:$0x3FB7];
	_ =	sdelay $0x3  }
0x34: {  	[smem:$0x3FB7] =	sst s10  }
0x35: {  	s10 =	sld [smem:$0x3FB6];
	_ =	sdelay $0x3  }
0x36: {  	p1 =	seq.s32 s10, $0x1;
	s10 =	sld [smem:$0x3FB7];
	_ =	sdelay $0x3  }
0x37: {  	[smem:$0x3FB7] =	sst s10  }
0x38: {  	s10 =	sld [smem:$0x3FB8]  }
0x39: {  	_ = 	snop;
	(pc) =	sbr.ind lr, $3  }
0x3a: {  	_ = 	snop  }
0x3b: {  	_ = 	snop  }
0x3c: {  	p2 =	seq.s32 s10, $0x1;
	s10 =	sld [smem:$0x3FB7]  }
0x3d: {  	_ =	shalt  }
0x3e: {  	_ =	shalt  }
0x3f: {  	_ =	shalt  }
0x40: {  	_ =	shalt  }
0x41: {  	_ =	shalt  }
0x42: {  	_ =	shalt  }
0x43: {  	_ =	shalt  }
0x44: {  	_ =	shalt  }
0x45: {  	_ =	shalt  }
0x46: {  	_ =	shalt  }
0x47: {  	_ =	shalt  }
0x48: {  	_ =	shalt  }
0x49: {  	_ =	shalt  }
0x4a: {  	_ =	shalt  }
0x4b: {  	_ =	shalt  }
0x4c: {  	_ =	shalt  }
0x4d: {  	_ =	shalt  }
0x4e: {  	_ =	shalt  }
0x4f: {  	_ =	shalt  }
0x50: {  	_ =	shalt  }
0x51: {  	_ =	shalt  }
0x52: {  	_ =	shalt  }
0x53: {  	_ =	shalt  }
0x54: {  	_ =	shalt  }
0x55: {  	_ =	shalt  }
0x56: {  	_ =	shalt  }
0x57: {  	_ =	shalt  }
0x58: {  	_ =	shalt  }
0x59: {  	_ =	shalt  }
0x5a: {  	_ =	shalt  }
0x5b: {  	_ =	shalt  }
0x5c: {  	_ =	shalt  }
0x5d: {  	_ =	shalt  }
0x5e: {  	_ =	shalt  }
0x5f: {  	_ =	shalt  }
0x60: {  	_ =	shalt  }
0x61: {  	_ =	shalt  }
0x62: {  	_ =	shalt  }
0x63: {  	_ =	shalt  }
0x64: {  	_ =	shalt  }
0x65: {  	_ =	shalt  }
0x66: {  	_ =	shalt  }
0x67: {  	_ =	shalt  }
0x68: {  	_ =	shalt  }
0x69: {  	_ =	shalt  }
0x6a: {  	_ =	shalt  }
0x6b: {  	_ =	shalt  }
0x6c: {  	_ =	shalt  }
0x6d: {  	_ =	shalt  }
0x6e: {  	_ =	shalt  }
0x6f: {  	_ =	shalt  }
0x70: {  	_ =	shalt  }
0x71: {  	_ =	shalt  }
0x72: {  	_ =	shalt  }
0x73: {  	_ =	shalt  }
0x74: {  	_ =	shalt  }
0x75: {  	_ =	shalt  }
0x76: {  	_ =	shalt  }
0x77: {  	_ =	shalt  }
0x78: {  	_ =	shalt  }
0x79: {  	_ =	shalt  }
0x7a: {  	_ =	shalt  }
0x7b: {  	_ =	shalt  }
0x7c: {  	_ =	shalt  }
0x7d: {  	_ =	shalt  }
0x7e: {  	_ =	shalt  }
0x7f: {  	_ =	shalt  }
0x80: {  	_ =	shalt  }
0x81: {  	_ =	shalt  }
0x82: {  	_ =	shalt  }
0x83: {  	_ =	shalt  }
0x84: {  	_ =	shalt  }
0x85: {  	_ =	shalt  }
0x86: {  	_ =	shalt  }
0x87: {  	_ =	shalt  }
.Lfunc_end0:
.L_simem_size_0:
called_computation_lowered:
.L_overlay_start_0:
0x88: {  	s2 =	sld [smem:$0x3FD9]  }
0x89: {  	s3 =	sld [smem:$0x3FFE];
	_ =	sdelay $0x1  }
0x8a: {  	s1 =	srdreg.scid  }
0x8b: {  	s0 =	sand.u32 $0x1, s1  }
0x8c: {  	s17 =	sshll.u32 s0, $0xA;
	s2 =	sadd.s32 s3, s2  }
0x8d: {  	s2 =	sadd.s32 s2, s17  }
0x8e: {  	[smem:$0x3FC3] =	sst s2  }
0x8f: {  	_ = 	snop  }
0x90: {  	s2 =	sld [smem:$0x3FC6];
	(tm) =	ssettm $0x1  }
0x91: {  	s18 =	sld [smem:$0x3FFB];
	_ =	sdelay $0x3  }
0x92: {  	_ =	strace s18  }
0x93: {  	s3 =	sld [smem:$0x3FFC];
	_ =	sdelay $0x3  }
0x94: {  	_ =	strace s3  }
0x95: {  	s3 =	sld [smem:$0x3FFD];
	_ =	sdelay $0x3  }
0x96: {  	_ =	strace s3  }
0x97: {  	_ =	strace $0x8FFFFFFF  }
0x98: {  	s19 =	sld [smem:$0x3FDB];
	_ =	sdelay $0x1  }
0x99: {  	s4 =	simm.s32 $_scs_section_size  }
0x9a: {  	s5 =	simm.s32 $_size__tile_overlayer_lowered;
	s6 =	simm.s32 $_tile_overlayer_lowered  }
0x9b: {  	s22 =	simm.s32 $0x1BFF;
	s21 =	sshll.u32 s6, $0x1;
	s3 =	sadd.s32 s4, s19  }
0x9c: {  	s7 =	simm.s32 $0x0;
	s20 =	sshll.u32 s5, $0x1;
	s5 =	sadd.s32 s21, s3  }
0x9d: {  	[timem:s7], [sflag:s22] =	dma.local [hbm:s5], s20  }
0x9e: {  	_ =	swait.ge [sflag:s22], s20  }
0x9f: {  	s4 =	ssub.s32 $0x0, s20;
	[sflag:s22] =	ssyncset.done $0x0  }
0xa0: {  	[sflag:s22] =	ssyncadd.s32 s4;
	_ =	sdelay $0x1  }
0xa1: {  	s23 =	simm.s32 $0x1B8B  }
0xa2: {  	_ =	swait.ge [sflag:s23], $0x1  }
0xa3: {  	[sflag:s23] =	ssyncset.done $0x0  }
0xa4: {  	s25 =	simm.s32 $0x1B8E;
	s24 =	sld [smem:$0x3FFE];
	[sflag:s23] =	ssyncadd.s32 $0xFFFFFFFF  }
0xa5: {  	s26 =	simm.s32 $execute0_lowered;
	[smem:$0x3FD2] =	sst s25  }
0xa6: {  	s5 =	sshll.u32 s26, $0x1;
	_ =	strace $0x80000046;
	[dreg:$0x1] =	wrdreg $0xFFFFFFFF  }
0xa7: {  	s28 =	simm.s32 $_size_execute0_lowered;
	s3 =	sadd.s32 s3, s5;
	[dreg:$0x0] =	wrdreg $0x0  }
0xa8: {  	s5 =	sshll.u32 s28, $0x1;
	[dreg:$0x2] =	wrdreg s3  }
0xa9: {  	[dreg:$0x3] =	wrdreg s5  }
0xaa: {  	[dreg:$0x4] =	wrdreg $0xC0  }
0xab: {  	_ =	task [dreg:s7], $0x5FFFF  }
0xac: {  	[dreg:$0x1] =	wrdreg $0xFFFFFFFF  }
0xad: {  	[dreg:$0x0] =	wrdreg $0x60  }
0xae: {  	[dreg:$0x2] =	wrdreg s2  }
0xaf: {  	[dreg:$0x3] =	wrdreg s24  }
0xb0: {  	[dreg:$0x4] =	wrdreg $0x9  }
0xb1: {  	_ =	task.clear_ibuf [dreg:s7], $0x5FFFF;
	_ =	strace $0x90000046  }
0xb2: {  	s29 =	simm.s32 $0x9;
	_ =	strace $0x80000048  }
0xb3: {  	_ =	swait.ge [sflag:s29], $0x1  }
0xb4: {  	[sflag:s29] =	ssyncadd.s32 $0xFFFFFFFF  }
0xb5: {  	_ =	strace $0x90000048  }
0xb6: {  	_ =	sfence  }
0xb7: {  	s30 =	sld [smem:$0x0];
	_ =	sdelay $0x2  }
0xb8: {  	s31 =	sshll.u32 s1, $0xD;
	s1 =	sshrl.u32 s1, $0x2  }
0xb9: {  	s3 =	sand.u32 $0x4000, s31;
	s1 =	sadd.s32 s1, s30  }
0xba: {  	s0 =	sor.u32 s3, s0;
	s1 =	sshll.u32 s1, $0x11  }
0xbb: {  	s0 =	sor.u32 s1, s0  }
0xbc: {  	s0 =	sadd.s32 $0x8F2B, s0  }
0xbd: {  	[sflag:s0] =	ssyncadd.remote.s32 $0x1  }
0xbe: {  	_ =	sfence.sel $0xFFFF  }
0xbf: {  	[dreg:$0x0] =	wrdreg $0xFFFFFFFF;
	(pc) =	sbr.abs _section_cstart, $3  }
0xc0: {  	[dreg:$0x1] =	wrdreg $0xFFFFFFFF  }
0xc1: {  	_ =	task.clear_ibuf [dreg:s7], $0x2FFFF;
	_ =	strace $0x9FFFFFFF  }
0xc2: {  	(tm) =	ssettm $0x7FFFFFFF  }
0xc3: {  	_ =	shalt  }
tec
execute0_lowered:
.L_overlay_start_1:
0x0: {  	(tag) =	ssettag $0x1  }
0x1: {  	v0 =	vimm.s32 $0x8040201;
	v1 =	vimm.s32 $0x80402010  }
0x2: {  	v0 =	vunpack.c.0.s8.s32 v0;
	v1 =	vunpack.c.0.s8.s32 v1  }
0x3: {  	vm0 =	vcmask $0xF00  }
0x4: {  	vm8 =	vcmask $0x1F10;
	v0 =	vnsel vm0, $0x8000, v0;
	v1 =	vand.u32 $0xFF, v1  }
0x5: {  	s1 =	srdreg.scid;
	s0 =	stileid.u32;
	vm9 =	vcmask $0x2320;
	v0 =	vsel vm8, v1, v0  }
0x6: {  	vm10 =	vcmask $0x2724;
	s5 =	rddreg [dreg:$0x1];
	s4 =	sand.u32 $0x1, s1;
	s2 =	sshll.u32 s0, $0x1;
	v0 =	vsel vm9, $0x100, v0  }
0x7: {  	vm11 =	vcmask $0x2B28;
	s3 =	simm.s32 $0x0;
	s1 =	rddreg [dreg:$0x0];
	s2 =	sor.u32 s4, s2;
	v0 =	vsel vm10, $0x200, v0  }
0x8: {  	vm12 =	vcmask $0x2F2C;
	[smem:$0x7FF] =	sst s3;
	s4 =	ssub.s32 $0x2, s4;
	s7 =	smul.u32 $0x7A20, s2;
	v0 =	vsel vm11, $0x400, v0  }
0x9: {  	vm13 =	vcmask $0x3330;
	s9 =	simm.s32 $0x0;
	s2 =	rddreg [dreg:$0x2];
	s8 =	sshrl.u32 s4, $0x1;
	v0 =	vsel vm12, $0x800, v0  }
0xa: {  	vm14 =	vcmask $0x3734;
	_ =	strace $0x80000047;
	s31 =	ssub.s32 s4, s8;
	s6 =	sshrl.u32 s7, $0x3;
	v0 =	vsel vm13, $0x1000, v0  }
0xb: {  	vm15 =	vcmask $0x3B38;
	s8 =	simm.s32 $0x2;
	s5 =	sadd.s32 s6, s5;
	s6 =	simm.s32 $0x1;
	v2 =	vsel vm14, $0x2000, v0  }
0xc: {  	v1 =	vimm.s32 $0x0;
	s4 =	sadd.s32 $0x2800, s5;
	s5 =	smax.u32 s31, $0x1;
	v0 =	vmov s7;
	s7 =	simm.s32 $0x4000;
	v2 =	vsel vm15, $0x4000, v2  }
.LBB2_1:
0xd: {  	[tilespmem:s3], [sflag:$0x1] =	stream.linear.gather [hbm4b:s1+s3], $0x4000, $0x38;
	[tilespmem:$0xBA20] =	vst v63  }
0xe: {  	_ =	swait.ge [sflag:s6], $0x4000  }
0xf: {  	[sflag:s6] =	ssyncset.done $0x0  }
0x10: {  	s10 =	simm.s32 $0x0;
	[sflag:s6] =	ssyncadd.s32 $0xFFFFC000  }
.LBB2_2:
0x11: {  	p0 =	sne.s32 s10, $0x1E840  }
.Ltmp0:
0x12: {  	_ = 	snop;
	(pc) =	sbr.rel @p0 .LBB2_2-.Ltmp0, $3  }
0x13: {  	_ =	sdelay $0x1  }
0x14: {  	s11 =	sshra.s32 s10, $0x2  }
0x15: {  	s10 =	sadd.s32 $0x40, s10;
	[tilespmem:s11+$0x4000] =	vst v1  }
0x16: {  	s10 =	simm.s32 $0x0  }
0x17: {  	v3 =	vld [tilespmem:s10+$0x0]  }
0x18: {  	s11 =	simm.s32 $0x1;
	s12 =	simm.s32 $0x0  }
.LBB2_4:
0x19: {  	p0 =	sne.s32 s11, $0x3FF;
	_ =	sdelay $0x2  }
0x1a: {  	v3 =	vsub.s32 v3, v0  }
0x1b: {  	vm0 =	vlt.u32 v3, $0x7A20  }
0x1c: {  	v4 =	vmov s10;
	s10 =	smov.u32 s11;
	v3 =	vnsel vm0, $0x0, v3  }
0x1d: {  	v4 =	vadd.s32 $0x1, v4  }
0x1e: {  	v4 =	vshll.u32 v4, $0x10  }
0x1f: {  	v4 =	vbroadcast v4, $0x0  }
.Ltmp1:
0x20: {  	(pc) =	sbr.rel @p0 .LBB2_4-.Ltmp1, $4  }
0x21: {  	[tilespmem:v3+s7+$0x0] =	vst.idx.msk vm0, v4  }
0x22: {  	s12 =	sadd.s32 $0x10, s12;
	[tilespmem:v3+s7+$0x0] =	vst.idx.add.s32.msk vm0, v2  }
0x23: {  	v3 =	vld [tilespmem:s12+$0x0]  }
0x24: {  	s11 =	sadd.s32 $0x1, s11  }
0x25: {  	_ =	sdelay $0x2  }
0x26: {  	v3 =	vsub.s32 v3, v0  }
0x27: {  	vm0 =	vlt.u32 v3, $0x7A20  }
0x28: {  	v4 =	vmov s10;
	v3 =	vnsel vm0, $0x0, v3  }
0x29: {  	v4 =	vadd.s32 $0x1, v4  }
0x2a: {  	v4 =	vshll.u32 v4, $0x10  }
0x2b: {  	v4 =	vbroadcast v4, $0x0  }
0x2c: {  	s9 =	sadd.s32 $0x1, s9  }
0x2d: {  	p0 =	sne.s32 s9, s5;
	[tilespmem:v3+s7+$0x0] =	vst.idx.msk vm0, v4  }
.Ltmp2:
0x2e: {  	[tilespmem:v3+s7+$0x0] =	vst.idx.add.s32.msk vm0, v2;
	(pc) =	sbr.rel @p0 .LBB2_1-.Ltmp2, $4  }
0x2f: {  	[hbm4b:s4+s3] =	stream.linear.scatter [tilespmem:s7], [sflag:$0x2], $0x7A20, $0x38;
	[tilespmem:$0xBA20] =	vst v63  }
0x30: {  	_ =	swait.ge [sflag:s8], $0x7A20  }
0x31: {  	[sflag:s8] =	ssyncset.done $0x0  }
0x32: {  	[sflag:s8] =	ssyncadd.s32 $0xFFFF85E0  }
0x33: {  	_ =	sfence.sel $0x180000  }
0x34: {  	[bflag:$0x0] =	sbarrier.arrive $0xFFFF  }
0x35: {  	p0 =	sne.s32 s0, $0x0;
	_ =	strace $0x90000047  }
0x36: {  	s0 =	sadd.s32 @!p0 $0x100000, s2;
	[bflag:$0x2] =	sbarrier.arrive $0xFFFF  }
0x37: {  	[sflag:s0] =	ssyncadd.tile.s32 @!p0 $0x1;
	_ =	shalt  }
.Lfunc_end2:
_tile_overlayer_lowered:
.L_overlay_start_2:
0x38: {  	(tag) =	ssettag $0x2  }
0x39: {  	s0 =	rddreg [dreg:$0x0];
	s2 =	stileid.u32  }
0x3a: {  	s1 =	rddreg [dreg:$0x1];
	p0 =	sne.s32 s2, $0x0  }
0x3b: {  	s3 =	rddreg [dreg:$0x2];
	[bflag:$0x3] =	sbarrier.arrive $0xFFFF;
	s2 =	simm.s32 @!p0 $0x1C02  }
0x3c: {  	[timem:s3], [sflag:s2] =	dma.local @!p0 [hbm:s0], s1  }
0x3d: {  	s0 =	simm.s32 @!p0 $0x2  }
0x3e: {  	_ =	swait.ge @!p0 [sflag:s0], s1  }
0x3f: {  	s1 =	ssub.s32 @!p0 $0x0, s1;
	[sflag:s0] =	ssyncset.done @!p0 $0x0  }
0x40: {  	[sflag:s0] =	ssyncadd.s32 @!p0 s1  }
0x41: {  	[bflag:$0x3] =	sbarrier.arrive $0xFFFF  }
0x42: {  	_ =	shalt  }

// kernel: kernel.8.cloned.1.call-start
scs
__scs_entry_jumppad:
0x0: {  	(pc) =	sbr.rel $0x88, $3  }
0x1: {  	(tag) =	ssettag $0x0;
	lr =	simm.s32 $0x1  }
0x2: {  	[smem:$0x3F9C] =	sst lr;
	_ =	strace $0xD0000000  }
0x3: {  	_ = 	snop  }
0x4: {  	_ = 	snop  }
0x5: {  	_ = 	snop  }
0x6: {  	_ = 	snop  }
0x7: {  	_ = 	snop  }
__scs_overlays_trampoline_lowered:
0x8: {  	[smem:$0x3FAB] =	sst s0  }
0x9: {  	[smem:$0x3FAC] =	sst s1  }
0xa: {  	[smem:$0x3FAD] =	sst s2  }
0xb: {  	[smem:$0x3FAE] =	sst s3  }
0xc: {  	[smem:$0x3FAF] =	sst s4  }
0xd: {  	[smem:$0x3FB0] =	sst s5  }
0xe: {  	[smem:$0x3FB1] =	sst s6  }
0xf: {  	[smem:$0x3FB2] =	sst s7  }
0x10: {  	[smem:$0x3FB3] =	sst s8  }
0x11: {  	[smem:$0x3FB4] =	sst s9;
	s0 =	simm.s32 @!p0 $0x0  }
0x12: {  	s1 =	sld [smem:$0x3F9A];
	s0 =	simm.s32 @p0 $0x1  }
0x13: {  	[smem:$0x3FB5] =	sst s0;
	s0 =	simm.s32 @!p1 $0x0  }
0x14: {  	s2 =	sld [smem:$0x3F99];
	s0 =	simm.s32 @p1 $0x1  }
0x15: {  	[smem:$0x3FB6] =	sst s0;
	s0 =	simm.s32 @!p2 $0x0  }
0x16: {  	s3 =	sld [smem:$0x3FDB];
	s0 =	simm.s32 @p2 $0x1  }
0x17: {  	s4 =	simm.s32 $0x1BF5;
	[smem:$0x3FB8] =	sst s0  }
0x18: {  	s0 =	sld [smem:$0x3F9B];
	_ =	swait.ge [sflag:s4], $0x0  }
0x19: {  	s7 =	sld [smem:$0x3F9C]  }
0x1a: {  	s8 =	sadd.s32 $0xFFFFE003, lr  }
0x1b: {  	s9 =	sadd.s32 $0xFFFFFEF7, lr;
	s5 =	simm.s32 $0xFFFFFFFF;
	p2 =	slt.u32 s8, $0xFFFFF086  }
0x1c: {  	p1 =	slt.u32 s9, $0xF7A;
	s5 =	simm.s32 @!p2 $0x0  }
0x1d: {  	s5 =	simm.s32 @p1 $0x1;
	p0 =	seq.s32 s7, s2  }
0x1e: {  	s7 =	smul.u32 @!p0 $0xF7A, s2;
	p2 =	seq.s32 @!p0 s5, $0x0  }
0x1f: {  	s9 =	smul.u32 $0xF7A, s1;
	s8 =	simm.s32 @!p0 $0x1BF5;
	p2 =	por !p2, p0  }
0x20: {  	[sflag:s8] =	ssyncset.s32 @!p0 $0xFFFFF086;
	s6 =	sadd.s32 @!p0 s3, s7;
	s7 =	simm.s32 @!p0 $0x108  }
0x21: {  	s3 =	sadd.s32 s3, s9;
	s6 =	sadd.s32 @!p0 $0x88, s6;
	s7 =	simm.s32 @p2 $0x1082  }
0x22: {  	[simem:s7], [sflag:s8] =	dma.local @!p0 [hbm:s6], $0xF7A  }
0x23: {  	s9 =	sor.u32 $0xD0000000, s2;
	s6 =	simm.s32 $0x108;
	_ =	swait.ge @!p0 [sflag:s8], $0x0  }
0x24: {  	s3 =	sadd.s32 $0x88, s3;
	s6 =	simm.s32 @!p1 $0x1082;
	[sflag:s4] =	ssyncset.s32 $0xFFFFF086  }
0x25: {  	[simem:s6], [sflag:s4] =	dma.local [hbm:s3], $0xF7A  }
0x26: {  	[smem:$0x3F9C] =	sst s1;
	(tag) =	ssettag s2;
	_ =	strace s9  }
0x27: {  	s1 =	sld [smem:$0x3FAC]  }
0x28: {  	s2 =	sld [smem:$0x3FAD]  }
0x29: {  	s4 =	sld [smem:$0x3FAF]  }
0x2a: {  	p0 =	seq.s32 s5, $0x0;
	s5 =	sld [smem:$0x3FB0]  }
0x2b: {  	s6 =	sld [smem:$0x3FB1]  }
0x2c: {  	s7 =	sld [smem:$0x3FB2]  }
0x2d: {  	s3 =	simm.s32 $0x108;
	s8 =	sld [smem:$0x3FB3]  }
0x2e: {  	s3 =	simm.s32 @!p0 $0x1082;
	s9 =	sld [smem:$0x3FB4]  }
0x2f: {  	lr =	sadd.s32 s0, s3;
	s0 =	sld [smem:$0x3FAB]  }
0x30: {  	s3 =	sld [smem:$0x3FAE]  }
0x31: {  	[smem:$0x3FB7] =	sst s10  }
0x32: {  	s10 =	sld [smem:$0x3FB5];
	_ =	sdelay $0x3  }
0x33: {  	p0 =	seq.s32 s10, $0x1;
	s10 =	sld [smem:$0x3FB7];
	_ =	sdelay $0x3  }
0x34: {  	[smem:$0x3FB7] =	sst s10  }
0x35: {  	s10 =	sld [smem:$0x3FB6];
	_ =	sdelay $0x3  }
0x36: {  	p1 =	seq.s32 s10, $0x1;
	s10 =	sld [smem:$0x3FB7];
	_ =	sdelay $0x3  }
0x37: {  	[smem:$0x3FB7] =	sst s10  }
0x38: {  	s10 =	sld [smem:$0x3FB8]  }
0x39: {  	_ = 	snop;
	(pc) =	sbr.ind lr, $3  }
0x3a: {  	_ = 	snop  }
0x3b: {  	_ = 	snop  }
0x3c: {  	p2 =	seq.s32 s10, $0x1;
	s10 =	sld [smem:$0x3FB7]  }
0x3d: {  	_ =	shalt  }
0x3e: {  	_ =	shalt  }
0x3f: {  	_ =	shalt  }
0x40: {  	_ =	shalt  }
0x41: {  	_ =	shalt  }
0x42: {  	_ =	shalt  }
0x43: {  	_ =	shalt  }
0x44: {  	_ =	shalt  }
0x45: {  	_ =	shalt  }
0x46: {  	_ =	shalt  }
0x47: {  	_ =	shalt  }
0x48: {  	_ =	shalt  }
0x49: {  	_ =	shalt  }
0x4a: {  	_ =	shalt  }
0x4b: {  	_ =	shalt  }
0x4c: {  	_ =	shalt  }
0x4d: {  	_ =	shalt  }
0x4e: {  	_ =	shalt  }
0x4f: {  	_ =	shalt  }
0x50: {  	_ =	shalt  }
0x51: {  	_ =	shalt  }
0x52: {  	_ =	shalt  }
0x53: {  	_ =	shalt  }
0x54: {  	_ =	shalt  }
0x55: {  	_ =	shalt  }
0x56: {  	_ =	shalt  }
0x57: {  	_ =	shalt  }
0x58: {  	_ =	shalt  }
0x59: {  	_ =	shalt  }
0x5a: {  	_ =	shalt  }
0x5b: {  	_ =	shalt  }
0x5c: {  	_ =	shalt  }
0x5d: {  	_ =	shalt  }
0x5e: {  	_ =	shalt  }
0x5f: {  	_ =	shalt  }
0x60: {  	_ =	shalt  }
0x61: {  	_ =	shalt  }
0x62: {  	_ =	shalt  }
0x63: {  	_ =	shalt  }
0x64: {  	_ =	shalt  }
0x65: {  	_ =	shalt  }
0x66: {  	_ =	shalt  }
0x67: {  	_ =	shalt  }
0x68: {  	_ =	shalt  }
0x69: {  	_ =	shalt  }
0x6a: {  	_ =	shalt  }
0x6b: {  	_ =	shalt  }
0x6c: {  	_ =	shalt  }
0x6d: {  	_ =	shalt  }
0x6e: {  	_ =	shalt  }
0x6f: {  	_ =	shalt  }
0x70: {  	_ =	shalt  }
0x71: {  	_ =	shalt  }
0x72: {  	_ =	shalt  }
0x73: {  	_ =	shalt  }
0x74: {  	_ =	shalt  }
0x75: {  	_ =	shalt  }
0x76: {  	_ =	shalt  }
0x77: {  	_ =	shalt  }
0x78: {  	_ =	shalt  }
0x79: {  	_ =	shalt  }
0x7a: {  	_ =	shalt  }
0x7b: {  	_ =	shalt  }
0x7c: {  	_ =	shalt  }
0x7d: {  	_ =	shalt  }
0x7e: {  	_ =	shalt  }
0x7f: {  	_ =	shalt  }
0x80: {  	_ =	shalt  }
0x81: {  	_ =	shalt  }
0x82: {  	_ =	shalt  }
0x83: {  	_ =	shalt  }
0x84: {  	_ =	shalt  }
0x85: {  	_ =	shalt  }
0x86: {  	_ =	shalt  }
0x87: {  	_ =	shalt  }
.Lfunc_end0:
.L_simem_size_0:
called_computation.1_lowered:
.L_overlay_start_0:
0x88: {  	s2 =	sld [smem:$0x3FD9]  }
0x89: {  	s3 =	sld [smem:$0x3FFE];
	_ =	sdelay $0x1  }
0x8a: {  	s1 =	srdreg.scid  }
0x8b: {  	s0 =	sand.u32 $0x1, s1  }
0x8c: {  	s17 =	sshll.u32 s0, $0xA;
	s2 =	sadd.s32 s3, s2  }
0x8d: {  	s2 =	sadd.s32 s2, s17  }
0x8e: {  	[smem:$0x3FC3] =	sst s2  }
0x8f: {  	_ = 	snop  }
0x90: {  	s2 =	sld [smem:$0x3FC5]  }
0x91: {  	s18 =	sld [smem:$0x3FD0];
	(tm) =	ssettm $0x1  }
0x92: {  	s4 =	sld [smem:$0x3FFB];
	_ =	sdelay $0x3  }
0x93: {  	_ =	strace s4  }
0x94: {  	s4 =	sld [smem:$0x3FFC];
	_ =	sdelay $0x3  }
0x95: {  	_ =	strace s4  }
0x96: {  	s4 =	sld [smem:$0x3FFD];
	_ =	sdelay $0x3  }
0x97: {  	_ =	strace s4  }
0x98: {  	_ =	strace $0x8FFFFFFF  }
0x99: {  	s19 =	sld [smem:$0x3FDB];
	_ =	sdelay $0x1  }
0x9a: {  	s5 =	simm.s32 $_scs_section_size  }
0x9b: {  	s6 =	simm.s32 $_size__tile_overlayer_lowered;
	s7 =	simm.s32 $_tile_overlayer_lowered  }
0x9c: {  	s22 =	simm.s32 $0x1BFF;
	s21 =	sshll.u32 s7, $0x1;
	s4 =	sadd.s32 s5, s19  }
0x9d: {  	s8 =	simm.s32 $0x0;
	s20 =	sshll.u32 s6, $0x1;
	s6 =	sadd.s32 s21, s4  }
0x9e: {  	[timem:s8], [sflag:s22] =	dma.local [hbm:s6], s20  }
0x9f: {  	_ =	swait.ge [sflag:s22], s20  }
0xa0: {  	s5 =	ssub.s32 $0x0, s20;
	[sflag:s22] =	ssyncset.done $0x0  }
0xa1: {  	[sflag:s22] =	ssyncadd.s32 s5;
	_ =	sdelay $0x1  }
0xa2: {  	s23 =	simm.s32 $0x1B8B  }
0xa3: {  	_ =	swait.ge [sflag:s23], $0x1  }
0xa4: {  	[sflag:s23] =	ssyncset.done $0x0  }
0xa5: {  	s25 =	simm.s32 $0x1B8E;
	s24 =	sld [smem:$0x3FFE];
	[sflag:s23] =	ssyncadd.s32 $0xFFFFFFFF  }
0xa6: {  	s26 =	simm.s32 $execute0_lowered;
	[smem:$0x3FD2] =	sst s25  }
0xa7: {  	s6 =	sshll.u32 s26, $0x1;
	_ =	strace $0x80000049;
	[dreg:$0x1] =	wrdreg $0xFFFFFFFF  }
0xa8: {  	s28 =	simm.s32 $_size_execute0_lowered;
	s4 =	sadd.s32 s4, s6;
	[dreg:$0x0] =	wrdreg $0x0  }
0xa9: {  	s6 =	sshll.u32 s28, $0x1;
	[dreg:$0x2] =	wrdreg s4  }
0xaa: {  	[dreg:$0x3] =	wrdreg s6  }
0xab: {  	[dreg:$0x4] =	wrdreg $0xC0  }
0xac: {  	_ =	task [dreg:s8], $0x5FFFF  }
0xad: {  	[dreg:$0x1] =	wrdreg $0xFFFFFFFF  }
0xae: {  	[dreg:$0x0] =	wrdreg $0x60  }
0xaf: {  	[dreg:$0x2] =	wrdreg s24  }
0xb0: {  	[dreg:$0x3] =	wrdreg s2  }
0xb1: {  	[dreg:$0x4] =	wrdreg s18  }
0xb2: {  	[dreg:$0x5] =	wrdreg $0x9  }
0xb3: {  	_ =	task.clear_ibuf [dreg:s8], $0x6FFFF;
	_ =	strace $0x90000049  }
0xb4: {  	s29 =	simm.s32 $0x9;
	_ =	strace $0x8000004B  }
0xb5: {  	_ =	swait.ge [sflag:s29], $0x1  }
0xb6: {  	[sflag:s29] =	ssyncadd.s32 $0xFFFFFFFF  }
0xb7: {  	_ =	strace $0x9000004B  }
0xb8: {  	_ =	sfence  }
0xb9: {  	s30 =	sld [smem:$0x0];
	_ =	sdelay $0x2  }
0xba: {  	s31 =	sshll.u32 s1, $0xD;
	s1 =	sshrl.u32 s1, $0x2  }
0xbb: {  	s3 =	sand.u32 $0x4000, s31;
	s1 =	sadd.s32 s1, s30  }
0xbc: {  	s0 =	sor.u32 s3, s0;
	s1 =	sshll.u32 s1, $0x11  }
0xbd: {  	s0 =	sor.u32 s1, s0  }
0xbe: {  	s0 =	sadd.s32 $0x8F2B, s0  }
0xbf: {  	[sflag:s0] =	ssyncadd.remote.s32 $0x1  }
0xc0: {  	_ =	sfence.sel $0xFFFF  }
0xc1: {  	[dreg:$0x0] =	wrdreg $0xFFFFFFFF;
	(pc) =	sbr.abs _section_cstart, $3  }
0xc2: {  	[dreg:$0x1] =	wrdreg $0xFFFFFFFF  }
0xc3: {  	_ =	task.clear_ibuf [dreg:s8], $0x2FFFF;
	_ =	strace $0x9FFFFFFF  }
0xc4: {  	(tm) =	ssettm $0x7FFFFFFF  }
0xc5: {  	_ =	shalt  }
tec
execute0_lowered:
.L_overlay_start_1:
0x0: {  	(tag) =	ssettag $0x1  }
0x1: {  	s0 =	rddreg [dreg:$0x0]  }
0x2: {  	s2 =	rddreg [dreg:$0x1]  }
0x3: {  	s1 =	rddreg [dreg:$0x2]  }
0x4: {  	s3 =	simm.s32 $0x0;
	s4 =	srdreg.scid;
	s5 =	stileid.u32  }
0x5: {  	s17 =	simm.s32 $0x1;
	s18 =	simm.s32 $0x80;
	s29 =	simm.s32 $0x2200  }
0x6: {  	s31 =	simm.s32 $0x3200;
	s25 =	simm.s32 $0x4200;
	s30 =	simm.s32 $0x5200  }
0x7: {  	s21 =	simm.s32 $0x6200;
	s20 =	simm.s32 $0x5;
	s22 =	simm.s32 $0x2  }
0x8: {  	s23 =	simm.s32 $0x3;
	s24 =	simm.s32 $0x4;
	s28 =	simm.s32 $0x0  }
0x9: {  	[smem:$0x7FF] =	sst s3;
	s6 =	sand.u32 $0x1, s4;
	s4 =	sadd.s32 $0x2800, s0  }
0xa: {  	s7 =	sshll.u32 s5, $0xA;
	s5 =	sadd.s32 $0x7A33200, s0;
	s8 =	sshll.u32 s6, $0x9  }
0xb: {  	_ =	strace $0x8000004A;
	s26 =	ssub.s32 $0x2, s6;
	s7 =	sor.u32 s8, s7  }
0xc: {  	s6 =	sadd.s32 $0x21200, s0;
	s10 =	sshrl.u32 s26, $0x1;
	s9 =	sshrl.u32 s7, $0x3  }
0xd: {  	s16 =	ssub.s32 s26, s10;
	s26 =	simm.s32 $0x1200;
	s11 =	sadd.s32 s9, s0  }
0xe: {  	s0 =	sadd.s32 s7, s0;
	s2 =	sadd.s32 s2, s9;
	s16 =	smax.u32 s16, $0x1  }
0xf: {  	[dreg:$0x4] =	wrdreg s2;
	s8 =	sadd.s32 $0x3D200, s11;
	s9 =	sadd.s32 $0x3DA00, s11  }
0x10: {  	s10 =	sadd.s32 $0x39200, s0;
	s11 =	sadd.s32 $0x35200, s0;
	s12 =	sadd.s32 $0x31200, s0  }
0x11: {  	s13 =	sadd.s32 $0x2D200, s0;
	s14 =	sadd.s32 $0x29200, s0;
	s15 =	sadd.s32 $0x25200, s0  }
.LBB2_1:
0x12: {  	s0 =	rddreg [dreg:$0x4]  }
0x13: {  	[tilespmem:s3], [sflag:$0x1] =	stream.linear.gather [hbm4b:s0+s3], $0x200, $0x38;
	[tilespmem:$0x7200] =	vst v63  }
0x14: {  	_ =	swait.ge [sflag:s17], $0x200  }
0x15: {  	[sflag:s17] =	ssyncset.done $0x0  }
0x16: {  	s2 =	simm.s32 $0x200;
	[sflag:s17] =	ssyncadd.s32 $0xFFFFFE00  }
0x17: {  	[tilespmem:s2], [sflag:$0x1] =	stream.indirect.gather [hbm4b:s4+s18], $0x1, s3, s18, $0xb8;
	[tilespmem:$0x7200] =	vst v63  }
0x18: {  	s7 =	simm.s32 $0x280  }
0x19: {  	[tilespmem:s7], [sflag:$0x1] =	stream.indirect.gather [hbm4b:s4+s18], $0x1, s18, s18, $0xb8;
	[tilespmem:$0x7200] =	vst v63  }
0x1a: {  	s19 =	simm.s32 $0x100;
	s2 =	simm.s32 $0x300  }
0x1b: {  	[tilespmem:s2], [sflag:$0x1] =	stream.indirect.gather [hbm4b:s4+s18], $0x1, s19, s18, $0xb8;
	[tilespmem:$0x7200] =	vst v63  }
0x1c: {  	s7 =	simm.s32 $0x180;
	s19 =	simm.s32 $0x380;
	s2 =	simm.s32 $0x0  }
0x1d: {  	[tilespmem:s19], [sflag:$0x1] =	stream.indirect.gather [hbm4b:s4+s18], $0x1, s7, s18, $0xb8;
	[tilespmem:$0x7200] =	vst v63  }
0x1e: {  	v0 =	vld [tilespmem:s2+$0x0];
	_ =	sdelay $0x4  }
0x1f: {  	s0 =	simm.s32 $0x10;
	v1 =	vmul.u32 $0x5, v0  }
0x20: {  	v0 =	vld [tilespmem:s0+$0x0]  }
0x21: {  	v2 =	vshra.s32 v1, $0x1;
	v1 =	vshra.s32 v1, $0x3  }
0x22: {  	[tilespmem:s2+$0x800] =	vst v2;
	v3 =	vadd.s32 $0x1, v2;
	vm0 =	vlt.s32 v1, $0x98966  }
0x23: {  	v2 =	vadd.s32 $0x2, v2;
	[tilespmem:s2+$0xA00] =	vst v3;
	v3 =	vnsel vm0, $0x98966, v1  }
0x24: {  	s19 =	simm.s32 $0x80;
	[tilespmem:s2+$0xC00] =	vst v2;
	v2 =	vadd.s32 $0x1, v3  }
.LBB2_2:
0x25: {  	s7 =	sshra.s32 s19, $0x2;
	p0 =	sne.s32 s19, $0x7C0;
	s19 =	sadd.s32 $0x40, s19;
	v3 =	vmul.u32 $0x5, v0;
	[tilespmem:s2+$0x1000] =	vst v2  }
.Ltmp0:
0x26: {  	v0 =	vld [tilespmem:s7+$0x0];
	[tilespmem:s2+$0xE00] =	vst v1;
	s2 =	smov.u32 s0;
	s0 =	smov.u32 s7;
	(pc) =	sbr.rel @p0 .LBB2_2-.Ltmp0, $4  }
0x27: {  	v2 =	vshra.s32 v3, $0x1;
	v1 =	vshra.s32 v3, $0x3  }
0x28: {  	[tilespmem:s2+$0x800] =	vst v2;
	v3 =	vadd.s32 $0x1, v2;
	v2 =	vadd.s32 $0x2, v2;
	vm0 =	vlt.s32 v1, $0x98966  }
0x29: {  	[tilespmem:s2+$0xA00] =	vst v3;
	v3 =	vnsel vm0, $0x98966, v1  }
0x2a: {  	[tilespmem:s2+$0xC00] =	vst v2;
	v2 =	vadd.s32 $0x1, v3  }
0x2b: {  	v0 =	vmul.u32 $0x5, v0  }
0x2c: {  	[tilespmem:s2+$0x1000] =	vst v2  }
0x2d: {  	[tilespmem:s2+$0xE00] =	vst v1;
	v1 =	vshra.s32 v0, $0x1  }
0x2e: {  	v0 =	vshra.s32 v0, $0x3;
	[tilespmem:s0+$0x800] =	vst v1  }
0x2f: {  	v2 =	vadd.s32 $0x1, v1;
	vm0 =	vlt.s32 v0, $0x98966;
	[tilespmem:s0+$0xE00] =	vst v0  }
0x30: {  	v1 =	vadd.s32 $0x2, v1;
	[tilespmem:s0+$0xA00] =	vst v2;
	v2 =	vnsel vm0, $0x98966, v0  }
0x31: {  	[tilespmem:s0+$0xC00] =	vst v1;
	v1 =	vadd.s32 $0x1, v2  }
0x32: {  	s7 =	simm.s32 $0x800;
	[tilespmem:s0+$0x1000] =	vst v1  }
0x33: {  	[tilespmem:s26], [sflag:$0x2] =	stream.indirect.gather [hbm4b:s5+s18], $0x8, s7, s18, $0xb8;
	[tilespmem:$0x7200] =	vst v63  }
0x34: {  	s19 =	simm.s32 $0xA00  }
0x35: {  	[tilespmem:s29], [sflag:$0x2] =	stream.indirect.gather [hbm4b:s5+s18], $0x8, s19, s18, $0xb8;
	[tilespmem:$0x7200] =	vst v63  }
0x36: {  	s2 =	simm.s32 $0xC00  }
0x37: {  	[tilespmem:s31], [sflag:$0x2] =	stream.indirect.gather [hbm4b:s5+s18], $0x8, s2, s18, $0xb8;
	[tilespmem:$0x7200] =	vst v63  }
0x38: {  	s7 =	simm.s32 $0x880;
	s19 =	simm.s32 $0x1600  }
0x39: {  	[tilespmem:s19], [sflag:$0x2] =	stream.indirect.gather [hbm4b:s5+s18], $0x8, s7, s18, $0xb8;
	[tilespmem:$0x7200] =	vst v63  }
0x3a: {  	s7 =	simm.s32 $0xA80;
	s19 =	simm.s32 $0x2600  }
0x3b: {  	[tilespmem:s19], [sflag:$0x2] =	stream.indirect.gather [hbm4b:s5+s18], $0x8, s7, s18, $0xb8;
	[tilespmem:$0x7200] =	vst v63  }
0x3c: {  	s7 =	simm.s32 $0xC80;
	s19 =	simm.s32 $0x3600  }
0x3d: {  	[tilespmem:s19], [sflag:$0x2] =	stream.indirect.gather [hbm4b:s5+s18], $0x8, s7, s18, $0xb8;
	[tilespmem:$0x7200] =	vst v63  }
0x3e: {  	s7 =	simm.s32 $0x900;
	s19 =	simm.s32 $0x1A00  }
0x3f: {  	[tilespmem:s19], [sflag:$0x2] =	stream.indirect.gather [hbm4b:s5+s18], $0x8, s7, s18, $0xb8;
	[tilespmem:$0x7200] =	vst v63  }
0x40: {  	s7 =	simm.s32 $0xB00;
	s19 =	simm.s32 $0x2A00  }
0x41: {  	[tilespmem:s19], [sflag:$0x2] =	stream.indirect.gather [hbm4b:s5+s18], $0x8, s7, s18, $0xb8;
	[tilespmem:$0x7200] =	vst v63  }
0x42: {  	s7 =	simm.s32 $0xD00;
	s19 =	simm.s32 $0x3A00  }
0x43: {  	[tilespmem:s19], [sflag:$0x2] =	stream.indirect.gather [hbm4b:s5+s18], $0x8, s7, s18, $0xb8;
	[tilespmem:$0x7200] =	vst v63  }
0x44: {  	s7 =	simm.s32 $0x980;
	s19 =	simm.s32 $0x1E00  }
0x45: {  	[tilespmem:s19], [sflag:$0x2] =	stream.indirect.gather [hbm4b:s5+s18], $0x8, s7, s18, $0xb8;
	[tilespmem:$0x7200] =	vst v63  }
0x46: {  	s7 =	simm.s32 $0xB80;
	s19 =	simm.s32 $0x2E00  }
0x47: {  	[tilespmem:s19], [sflag:$0x2] =	stream.indirect.gather [hbm4b:s5+s18], $0x8, s7, s18, $0xb8;
	[tilespmem:$0x7200] =	vst v63  }
0x48: {  	s2 =	simm.s32 $0xD80;
	s7 =	simm.s32 $0x3E00  }
0x49: {  	[tilespmem:s7], [sflag:$0x2] =	stream.indirect.gather [hbm4b:s5+s18], $0x8, s2, s18, $0xb8;
	[tilespmem:$0x7200] =	vst v63  }
0x4a: {  	s19 =	simm.s32 $0xE00  }
0x4b: {  	[tilespmem:s25], [sflag:$0x3] =	stream.indirect.gather [hbm4b:s1+s18], $0x8, s19, s18, $0xb8;
	[tilespmem:$0x7200] =	vst v63  }
0x4c: {  	s2 =	simm.s32 $0x1000  }
0x4d: {  	[tilespmem:s30], [sflag:$0x3] =	stream.indirect.gather [hbm4b:s1+s18], $0x8, s2, s18, $0xb8;
	[tilespmem:$0x7200] =	vst v63  }
0x4e: {  	s7 =	simm.s32 $0xE80;
	s19 =	simm.s32 $0x4600  }
0x4f: {  	[tilespmem:s19], [sflag:$0x3] =	stream.indirect.gather [hbm4b:s1+s18], $0x8, s7, s18, $0xb8;
	[tilespmem:$0x7200] =	vst v63  }
0x50: {  	s7 =	simm.s32 $0x1080;
	s19 =	simm.s32 $0x5600  }
0x51: {  	[tilespmem:s19], [sflag:$0x3] =	stream.indirect.gather [hbm4b:s1+s18], $0x8, s7, s18, $0xb8;
	[tilespmem:$0x7200] =	vst v63  }
0x52: {  	s7 =	simm.s32 $0xF00;
	s19 =	simm.s32 $0x4A00  }
0x53: {  	[tilespmem:s19], [sflag:$0x3] =	stream.indirect.gather [hbm4b:s1+s18], $0x8, s7, s18, $0xb8;
	[tilespmem:$0x7200] =	vst v63  }
0x54: {  	s7 =	simm.s32 $0x1100;
	s19 =	simm.s32 $0x5A00  }
0x55: {  	[tilespmem:s19], [sflag:$0x3] =	stream.indirect.gather [hbm4b:s1+s18], $0x8, s7, s18, $0xb8;
	[tilespmem:$0x7200] =	vst v63  }
0x56: {  	s7 =	simm.s32 $0xF80;
	s19 =	simm.s32 $0x4E00  }
0x57: {  	[tilespmem:s19], [sflag:$0x3] =	stream.indirect.gather [hbm4b:s1+s18], $0x8, s7, s18, $0xb8;
	[tilespmem:$0x7200] =	vst v63  }
0x58: {  	s7 =	simm.s32 $0x1180;
	s19 =	simm.s32 $0x5E00  }
0x59: {  	[tilespmem:s19], [sflag:$0x3] =	stream.indirect.gather [hbm4b:s1+s18], $0x8, s7, s18, $0xb8;
	[tilespmem:$0x7200] =	vst v63  }
0x5a: {  	_ =	swait.ge [sflag:s17], $0x80  }
0x5b: {  	[sflag:s17] =	ssyncset.done $0x0  }
0x5c: {  	[sflag:s17] =	ssyncadd.s32 $0xFFFFFF80  }
0x5d: {  	_ =	swait.ge [sflag:s17], $0x80  }
0x5e: {  	[sflag:s17] =	ssyncset.done $0x0  }
0x5f: {  	[sflag:s17] =	ssyncadd.s32 $0xFFFFFF80  }
0x60: {  	_ =	swait.ge [sflag:s17], $0x80  }
0x61: {  	[sflag:s17] =	ssyncset.done $0x0  }
0x62: {  	[sflag:s17] =	ssyncadd.s32 $0xFFFFFF80  }
0x63: {  	_ =	swait.ge [sflag:s17], $0x80  }
0x64: {  	[sflag:s17] =	ssyncset.done $0x0  }
0x65: {  	s0 =	simm.s32 $0x0;
	[sflag:s17] =	ssyncadd.s32 $0xFFFFFF80  }
0x66: {  	v0 =	vld [tilespmem:s0+$0x200];
	_ =	sdelay $0x4  }
0x67: {  	v1 =	vand.u32 $0xFFFF, v0  }
0x68: {  	v1 =	vcvt.s32.f32 v1  }
0x69: {  	v2 =	vshra.s32 v0, $0x10  }
0x6a: {  	s2 =	simm.s32 $0x10;
	v0 =	vshrl.u32 v1, $0x17;
	v1 =	vshll.u32 v2, $0x4  }
0x6b: {  	v1 =	vadd.s32 v0, v1;
	v0 =	vld [tilespmem:s2+$0x200];
	_ =	sdelay $0x3  }
0x6c: {  	s19 =	simm.s32 $0x80;
	vm0 =	vgt.s32 v2, $0x0;
	v1 =	vadd.s32 $0xFFFFFF71, v1  }
.LBB2_4:
0x6d: {  	s7 =	sshra.s32 s19, $0x2;
	p0 =	sne.s32 s19, $0x7C0;
	s19 =	sadd.s32 $0x40, s19;
	v2 =	vand.u32 $0xFFFF, v0;
	v1 =	vnsel vm0, $0xFFFFFFFF, v1;
	v3 =	vmov v0  }
.Ltmp1:
0x6e: {  	v0 =	vld [tilespmem:s7+$0x200];
	v2 =	vcvt.s32.f32 v2;
	[tilespmem:s0+$0x400] =	vst v1;
	vm0 =	vgt.s32 v1, $0x0;
	(pc) =	sbr.rel @p0 .LBB2_4-.Ltmp1, $4  }
0x6f: {  	v3 =	vshra.s32 v3, $0x10;
	v1 =	vnsel vm0, $0x0, v1  }
0x70: {  	v4 =	vshll.u32 v3, $0x4;
	v2 =	vshrl.u32 v2, $0x17;
	[tilespmem:s0+$0x600] =	vst v1;
	s0 =	smov.u32 s2;
	s2 =	smov.u32 s7  }
0x71: {  	v1 =	vadd.s32 v2, v4  }
0x72: {  	vm0 =	vgt.s32 v3, $0x0;
	v1 =	vadd.s32 $0xFFFFFF71, v1  }
0x73: {  	v2 =	vand.u32 $0xFFFF, v0  }
0x74: {  	v2 =	vcvt.s32.f32 v2  }
0x75: {  	v61 =	vshra.s32 v0, $0x10  }
0x76: {  	v3 =	vshll.u32 v61, $0x4;
	v2 =	vshrl.u32 v2, $0x17  }
0x77: {  	v1 =	vnsel vm0, $0xFFFFFFFF, v1;
	v2 =	vadd.s32 v2, v3  }
0x78: {  	vm0 =	vgt.s32 v1, $0x0;
	vm1 =	vgt.s32 v61, $0x0;
	v62 =	vadd.s32 $0xFFFFFF71, v2  }
0x79: {  	[tilespmem:s0+$0x400] =	vst v1;
	v63 =	vnsel vm0, $0x0, v1;
	v0 =	vnsel vm1, $0xFFFFFFFF, v62  }
0x7a: {  	[tilespmem:s0+$0x600] =	vst v63;
	vm15 =	vgt.s32 v0, $0x0  }
0x7b: {  	[tilespmem:s2+$0x400] =	vst v0;
	v0 =	vnsel vm15, $0x0, v0  }
0x7c: {  	[tilespmem:s2+$0x600] =	vst v0;
	s2 =	simm.s32 $0x600  }
0x7d: {  	[tilespmem:s21], [sflag:$0x4] =	stream.indirect.gather [hbm4b:s6+s18], $0x8, s2, s18, $0xb8;
	[tilespmem:$0x7200] =	vst v63  }
0x7e: {  	s7 =	simm.s32 $0x680;
	s19 =	simm.s32 $0x6600  }
0x7f: {  	[tilespmem:s19], [sflag:$0x4] =	stream.indirect.gather [hbm4b:s6+s18], $0x8, s7, s18, $0xb8;
	[tilespmem:$0x7200] =	vst v63  }
0x80: {  	s7 =	simm.s32 $0x700;
	s19 =	simm.s32 $0x6A00  }
0x81: {  	[tilespmem:s19], [sflag:$0x4] =	stream.indirect.gather [hbm4b:s6+s18], $0x8, s7, s18, $0xb8;
	[tilespmem:$0x7200] =	vst v63  }
0x82: {  	s2 =	simm.s32 $0x780;
	s7 =	simm.s32 $0x6E00  }
0x83: {  	[tilespmem:s7], [sflag:$0x4] =	stream.indirect.gather [hbm4b:s6+s18], $0x8, s2, s18, $0xb8;
	[tilespmem:$0x7200] =	vst v63  }
0x84: {  	s19 =	simm.s32 $0x400  }
0x85: {  	[hbm4b:s8+s3] =	stream.linear.scatter [tilespmem:s19], [sflag:$0x5], $0x200, $0x38;
	[tilespmem:$0x7200] =	vst v63  }
0x86: {  	_ =	swait.ge [sflag:s20], $0x200  }
0x87: {  	[sflag:s20] =	ssyncset.done $0x0  }
0x88: {  	[sflag:s20] =	ssyncadd.s32 $0xFFFFFE00  }
0x89: {  	[hbm4b:s9+s3] =	stream.linear.scatter [tilespmem:s3], [sflag:$0x5], $0x200, $0x38;
	[tilespmem:$0x7200] =	vst v63  }
0x8a: {  	_ =	swait.ge [sflag:s20], $0x200  }
0x8b: {  	[sflag:s20] =	ssyncset.done $0x0  }
0x8c: {  	[sflag:s20] =	ssyncadd.s32 $0xFFFFFE00  }
0x8d: {  	_ =	swait.ge [sflag:s22], $0x400  }
0x8e: {  	[sflag:s22] =	ssyncset.done $0x0  }
0x8f: {  	[sflag:s22] =	ssyncadd.s32 $0xFFFFFC00  }
0x90: {  	_ =	swait.ge [sflag:s22], $0x400  }
0x91: {  	[sflag:s22] =	ssyncset.done $0x0  }
0x92: {  	[sflag:s22] =	ssyncadd.s32 $0xFFFFFC00  }
0x93: {  	_ =	swait.ge [sflag:s22], $0x400  }
0x94: {  	[sflag:s22] =	ssyncset.done $0x0  }
0x95: {  	[sflag:s22] =	ssyncadd.s32 $0xFFFFFC00  }
0x96: {  	_ =	swait.ge [sflag:s22], $0x400  }
0x97: {  	[sflag:s22] =	ssyncset.done $0x0  }
0x98: {  	[sflag:s22] =	ssyncadd.s32 $0xFFFFFC00  }
0x99: {  	_ =	swait.ge [sflag:s22], $0x400  }
0x9a: {  	[sflag:s22] =	ssyncset.done $0x0  }
0x9b: {  	[sflag:s22] =	ssyncadd.s32 $0xFFFFFC00  }
0x9c: {  	_ =	swait.ge [sflag:s22], $0x400  }
0x9d: {  	[sflag:s22] =	ssyncset.done $0x0  }
0x9e: {  	[sflag:s22] =	ssyncadd.s32 $0xFFFFFC00  }
0x9f: {  	_ =	swait.ge [sflag:s22], $0x400  }
0xa0: {  	[sflag:s22] =	ssyncset.done $0x0  }
0xa1: {  	[sflag:s22] =	ssyncadd.s32 $0xFFFFFC00  }
0xa2: {  	_ =	swait.ge [sflag:s22], $0x400  }
0xa3: {  	[sflag:s22] =	ssyncset.done $0x0  }
0xa4: {  	[sflag:s22] =	ssyncadd.s32 $0xFFFFFC00  }
0xa5: {  	_ =	swait.ge [sflag:s22], $0x400  }
0xa6: {  	[sflag:s22] =	ssyncset.done $0x0  }
0xa7: {  	[sflag:s22] =	ssyncadd.s32 $0xFFFFFC00  }
0xa8: {  	_ =	swait.ge [sflag:s22], $0x400  }
0xa9: {  	[sflag:s22] =	ssyncset.done $0x0  }
0xaa: {  	[sflag:s22] =	ssyncadd.s32 $0xFFFFFC00  }
0xab: {  	_ =	swait.ge [sflag:s22], $0x400  }
0xac: {  	[sflag:s22] =	ssyncset.done $0x0  }
0xad: {  	[sflag:s22] =	ssyncadd.s32 $0xFFFFFC00  }
0xae: {  	_ =	swait.ge [sflag:s22], $0x400  }
0xaf: {  	[sflag:s22] =	ssyncset.done $0x0  }
0xb0: {  	[sflag:s22] =	ssyncadd.s32 $0xFFFFFC00  }
0xb1: {  	[hbm4b:s10+s3] =	stream.linear.scatter [tilespmem:s26], [sflag:$0x5], $0x1000, $0x38;
	[tilespmem:$0x7200] =	vst v63  }
0xb2: {  	_ =	swait.ge [sflag:s20], $0x1000  }
0xb3: {  	[sflag:s20] =	ssyncset.done $0x0  }
0xb4: {  	[sflag:s20] =	ssyncadd.s32 $0xFFFFF000  }
0xb5: {  	[hbm4b:s11+s3] =	stream.linear.scatter [tilespmem:s29], [sflag:$0x5], $0x1000, $0x38;
	[tilespmem:$0x7200] =	vst v63  }
0xb6: {  	_ =	swait.ge [sflag:s20], $0x1000  }
0xb7: {  	[sflag:s20] =	ssyncset.done $0x0  }
0xb8: {  	[sflag:s20] =	ssyncadd.s32 $0xFFFFF000  }
0xb9: {  	[hbm4b:s12+s3] =	stream.linear.scatter [tilespmem:s31], [sflag:$0x5], $0x1000, $0x38;
	[tilespmem:$0x7200] =	vst v63  }
0xba: {  	_ =	swait.ge [sflag:s20], $0x1000  }
0xbb: {  	[sflag:s20] =	ssyncset.done $0x0  }
0xbc: {  	[sflag:s20] =	ssyncadd.s32 $0xFFFFF000  }
0xbd: {  	_ =	swait.ge [sflag:s23], $0x400  }
0xbe: {  	[sflag:s23] =	ssyncset.done $0x0  }
0xbf: {  	[sflag:s23] =	ssyncadd.s32 $0xFFFFFC00  }
0xc0: {  	_ =	swait.ge [sflag:s23], $0x400  }
0xc1: {  	[sflag:s23] =	ssyncset.done $0x0  }
0xc2: {  	[sflag:s23] =	ssyncadd.s32 $0xFFFFFC00  }
0xc3: {  	_ =	swait.ge [sflag:s23], $0x400  }
0xc4: {  	[sflag:s23] =	ssyncset.done $0x0  }
0xc5: {  	[sflag:s23] =	ssyncadd.s32 $0xFFFFFC00  }
0xc6: {  	_ =	swait.ge [sflag:s23], $0x400  }
0xc7: {  	[sflag:s23] =	ssyncset.done $0x0  }
0xc8: {  	[sflag:s23] =	ssyncadd.s32 $0xFFFFFC00  }
0xc9: {  	_ =	swait.ge [sflag:s23], $0x400  }
0xca: {  	[sflag:s23] =	ssyncset.done $0x0  }
0xcb: {  	[sflag:s23] =	ssyncadd.s32 $0xFFFFFC00  }
0xcc: {  	_ =	swait.ge [sflag:s23], $0x400  }
0xcd: {  	[sflag:s23] =	ssyncset.done $0x0  }
0xce: {  	[sflag:s23] =	ssyncadd.s32 $0xFFFFFC00  }
0xcf: {  	_ =	swait.ge [sflag:s23], $0x400  }
0xd0: {  	[sflag:s23] =	ssyncset.done $0x0  }
0xd1: {  	[sflag:s23] =	ssyncadd.s32 $0xFFFFFC00  }
0xd2: {  	_ =	swait.ge [sflag:s23], $0x400  }
0xd3: {  	[sflag:s23] =	ssyncset.done $0x0  }
0xd4: {  	[sflag:s23] =	ssyncadd.s32 $0xFFFFFC00  }
0xd5: {  	[hbm4b:s13+s3] =	stream.linear.scatter [tilespmem:s25], [sflag:$0x5], $0x1000, $0x38;
	[tilespmem:$0x7200] =	vst v63  }
0xd6: {  	_ =	swait.ge [sflag:s20], $0x1000  }
0xd7: {  	[sflag:s20] =	ssyncset.done $0x0  }
0xd8: {  	[sflag:s20] =	ssyncadd.s32 $0xFFFFF000  }
0xd9: {  	[hbm4b:s14+s3] =	stream.linear.scatter [tilespmem:s30], [sflag:$0x5], $0x1000, $0x38;
	[tilespmem:$0x7200] =	vst v63  }
0xda: {  	_ =	swait.ge [sflag:s20], $0x1000  }
0xdb: {  	[sflag:s20] =	ssyncset.done $0x0  }
0xdc: {  	[sflag:s20] =	ssyncadd.s32 $0xFFFFF000  }
0xdd: {  	_ =	swait.ge [sflag:s24], $0x400  }
0xde: {  	[sflag:s24] =	ssyncset.done $0x0  }
0xdf: {  	[sflag:s24] =	ssyncadd.s32 $0xFFFFFC00  }
0xe0: {  	_ =	swait.ge [sflag:s24], $0x400  }
0xe1: {  	[sflag:s24] =	ssyncset.done $0x0  }
0xe2: {  	[sflag:s24] =	ssyncadd.s32 $0xFFFFFC00  }
0xe3: {  	_ =	swait.ge [sflag:s24], $0x400  }
0xe4: {  	[sflag:s24] =	ssyncset.done $0x0  }
0xe5: {  	[sflag:s24] =	ssyncadd.s32 $0xFFFFFC00  }
0xe6: {  	s28 =	sadd.s32 $0x1, s28;
	_ =	swait.ge [sflag:s24], $0x400  }
0xe7: {  	p0 =	sne.s32 s28, s16;
	[sflag:s24] =	ssyncset.done $0x0  }
.Ltmp2:
0xe8: {  	[sflag:s24] =	ssyncadd.s32 $0xFFFFFC00;
	(pc) =	sbr.rel @p0 .LBB2_1-.Ltmp2, $4  }
0xe9: {  	[hbm4b:s15+s3] =	stream.linear.scatter [tilespmem:s21], [sflag:$0x5], $0x1000, $0x38;
	[tilespmem:$0x7200] =	vst v63  }
0xea: {  	_ =	swait.ge [sflag:s20], $0x1000  }
0xeb: {  	[sflag:s20] =	ssyncset.done $0x0  }
0xec: {  	[sflag:s20] =	ssyncadd.s32 $0xFFFFF000  }
0xed: {  	_ =	sfence.sel $0x180000  }
0xee: {  	[bflag:$0x0] =	sbarrier.arrive $0xFFFF  }
0xef: {  	_ =	strace $0x9000004A  }
0xf0: {  	s0 =	stileid.u32;
	[bflag:$0x2] =	sbarrier.arrive $0xFFFF  }
0xf1: {  	p0 =	sne.s32 s0, $0x0;
	s0 =	rddreg [dreg:$0x3]  }
0xf2: {  	s0 =	sadd.s32 @!p0 $0x100000, s0  }
0xf3: {  	[sflag:s0] =	ssyncadd.tile.s32 @!p0 $0x1;
	_ =	shalt  }
.Lfunc_end2:
_tile_overlayer_lowered:
.L_overlay_start_2:
0xf4: {  	(tag) =	ssettag $0x2  }
0xf5: {  	s0 =	rddreg [dreg:$0x0];
	s2 =	stileid.u32  }
0xf6: {  	s1 =	rddreg [dreg:$0x1];
	p0 =	sne.s32 s2, $0x0  }
0xf7: {  	s3 =	rddreg [dreg:$0x2];
	[bflag:$0x3] =	sbarrier.arrive $0xFFFF;
	s2 =	simm.s32 @!p0 $0x1C05  }
0xf8: {  	[timem:s3], [sflag:s2] =	dma.local @!p0 [hbm:s0], s1  }
0xf9: {  	s0 =	simm.s32 @!p0 $0x5  }
0xfa: {  	_ =	swait.ge @!p0 [sflag:s0], s1  }
0xfb: {  	s1 =	ssub.s32 @!p0 $0x0, s1;
	[sflag:s0] =	ssyncset.done @!p0 $0x0  }
0xfc: {  	[sflag:s0] =	ssyncadd.s32 @!p0 s1  }
0xfd: {  	[bflag:$0x3] =	sbarrier.arrive $0xFFFF  }
0xfe: {  	_ =	shalt  }

</sc_bundles>
